<compile_context>
chip_gen: v7x
topology: tpu7x:2x2x1
jax: 0.10.2.dev20260603
libtpu: 0.0.44.dev20260713+nightly
codegen_flags: <defaults>
</compile_context>

<pallas_src>
import functools

import jax
import jax.numpy as jnp
from jax import lax
from jax.experimental import pallas as pl
from jax.experimental.pallas import tpu as pltpu
from jax.experimental.pallas import tpu_sc as plsc

_TOP_K = 64
_NC, _NS, _L = 2, 16, 16


def _norms_body(h_ref, s_ref):
    h3 = h_ref[0]
    s_ref[...] = jnp.sqrt(jnp.sum(h3 * h3, axis=2))[None]


def _cumsum_lanes(x):
    b, n = x.shape
    d = 1
    while d < n:
        z = jnp.zeros((b, d), x.dtype)
        x = x + jnp.concatenate([z, x[:, : n - d]], axis=1)
        d *= 2
    return x


def _select_body(s_ref, sel_ref, *, k, B):
    sbits = lax.bitcast_convert_type(s_ref[...], jnp.int32)
    kv = jnp.full((B, 1), k, jnp.int32)

    def bs_step(_, carry):
        lo, hi = carry
        q = jnp.maximum((hi - lo) >> 2, 1)
        m1, m2, m3 = lo + q, lo + 2 * q, lo + 3 * q
        c1 = jnp.sum(jnp.where(sbits >= m1, 1, 0), axis=1, keepdims=True)
        c2 = jnp.sum(jnp.where(sbits >= m2, 1, 0), axis=1, keepdims=True)
        c3 = jnp.sum(jnp.where(sbits >= m3, 1, 0), axis=1, keepdims=True)
        g1, g2, g3 = c1 >= kv, c2 >= kv, c3 >= kv
        lo2 = jnp.where(g3, m3, jnp.where(g2, m2, jnp.where(g1, m1, lo)))
        hi2 = jnp.where(g3, hi, jnp.where(g2, m3, jnp.where(g1, m2, m1)))
        return (lo2, hi2)

    lo0 = jnp.zeros((B, 1), jnp.int32)
    hi0 = jnp.full((B, 1), 0x7F800000, jnp.int32)
    T, _ = lax.fori_loop(0, 18, bs_step, (lo0, hi0))

    gt = sbits > T
    eq = sbits == T
    n_gt = jnp.sum(jnp.where(gt, 1, 0), axis=1, keepdims=True)
    need = (kv - n_gt).astype(jnp.float32)
    eqrank = _cumsum_lanes(jnp.where(eq, 1.0, 0.0))
    sel = gt | (eq & (eqrank <= need))
    rank = _cumsum_lanes(jnp.where(sel, 1.0, 0.0)) - 1.0
    sel_ref[...] = jnp.where(sel, rank.astype(jnp.int32), -1)


def _sc_body(
    sel_hbm,
    hflat_hbm,
    out_hbm,
    sel_v,
    idx_v,
    rows_v,
    acc_v,
    sem,
    *,
    k,
    B,
    N,
    D,
):
    wid = lax.axis_index("s") * _NC + lax.axis_index("c")

    @pl.when(wid < B)
    def _():
        b = wid
        pltpu.sync_copy(sel_hbm.at[pl.ds(b * N, N)], sel_v)
        lanes = lax.iota(jnp.int32, _L)
        nil = jnp.full((_L,), 0, jnp.int32)

        def chunk(i, carry):
            for u in range(4):
                p = sel_v[pl.ds((i * 4 + u) * _L, _L)]
                gidx = (b * N + (i * 4 + u) * _L) + lanes
                plsc.store_scatter(idx_v, [p], gidx, mask=p >= nil)
            return carry

        lax.fori_loop(0, N // (4 * _L), chunk, 0)

        pltpu.async_copy(hflat_hbm.at[idx_v], rows_v, sem).wait()

        def accum(r, acc):
            return tuple(
                acc[c]
                + rows_v[2 * r, pl.ds(c * _L, _L)]
                + rows_v[2 * r + 1, pl.ds(c * _L, _L)]
                for c in range(D // _L)
            )

        acc0 = tuple(jnp.zeros((_L,), jnp.float32) for _ in range(D // _L))
        acc = lax.fori_loop(0, k // 2, accum, acc0)
        for c in range(D // _L):
            acc_v[pl.ds(c * _L, _L)] = acc[c] * (1.0 / k)
        pltpu.sync_copy(acc_v, out_hbm.at[pl.ds(b * D, D)])


def kernel(H_prime):
    B, N, D = H_prime.shape
    k = min(max(_TOP_K, 1), N)
    R, C = N // 128, 128
    h4 = H_prime.reshape(B, R, C, D)

    scores = pl.pallas_call(
        _norms_body,
        grid=(B,),
        in_specs=[pl.BlockSpec((1, R, C, D), lambda b: (b, 0, 0, 0))],
        out_specs=pl.BlockSpec((1, R, C), lambda b: (b, 0, 0)),
        out_shape=jax.ShapeDtypeStruct((B, R, C), jnp.float32),
    )(h4)

    sel = pl.pallas_call(
        functools.partial(_select_body, k=k, B=B),
        in_specs=[pl.BlockSpec((B, N), lambda: (0, 0))],
        out_specs=pl.BlockSpec((B, N), lambda: (0, 0)),
        out_shape=jax.ShapeDtypeStruct((B, N), jnp.int32),
    )(scores.reshape(B, N))

    sc_fn = pl.kernel(
        functools.partial(_sc_body, k=k, B=B, N=N, D=D),
        out_type=jax.ShapeDtypeStruct((B * D,), jnp.float32),
        mesh=plsc.VectorSubcoreMesh(
            core_axis_name="c",
            subcore_axis_name="s",
            num_cores=_NC,
            num_subcores=_NS,
        ),
        compiler_params=pltpu.CompilerParams(needs_layout_passes=False),
        scratch_types=[
            pltpu.VMEM((N,), jnp.int32),
            pltpu.VMEM((k,), jnp.int32),
            pltpu.VMEM((k, D), jnp.float32),
            pltpu.VMEM((D,), jnp.float32),
            pltpu.SemaphoreType.DMA,
        ],
    )
    out_flat = sc_fn(
        sel.reshape(B * N),
        H_prime.reshape(B * N, D),
    )
    return out_flat.reshape(B, D)

# --- scband reference (transcript-rebuilt; emitter-appended) ---
"""Pipeline reference for scband-graph-readout-16020228014436 (READ-ONLY COPY).

The authoritative reference and input builder live on the scoring server;
editing this copy changes nothing except your own understanding.
"""

import jax, jax.numpy as jnp
import numpy as np

B, N, D = 16, 4096, 512
TOP_K = 64

def setup_inputs(seed: int = 0) -> dict:
    key = jax.random.key(seed)
    H_prime = jax.random.normal(key, (B, N, D), dtype=jnp.float32)
    return {"H_prime": H_prime}

def reference(H_prime):
    B_, N_, D_ = H_prime.shape
    k = min(max(TOP_K, 1), N_)
    # scores = L2 norm of each node's feature vector: (B, N)
    scores = jnp.sqrt(jnp.sum(H_prime * H_prime, axis=-1))
    # top-k node indices per graph: (B, k)
    _, topk_idx = jax.lax.top_k(scores, k)
    # gather selected node features: (B, k, D)
    gathered = jnp.take_along_axis(H_prime, topk_idx[:, :, None], axis=1)
    # mean-pool over the k selected nodes: (B, D)
    return gathered.mean(axis=1)

if __name__ == "__main__":
    import jax
    _d = setup_inputs()
    print(jax.jit(kernel)(*tuple(_d.values())))

</pallas_src>

<mosaic_0001>
#map = affine_map<(d0, d1) -> (0)>
#map1 = affine_map<(d0, d1) -> (0, 0)>
module attributes {stable_mosaic.version = 14 : i64} {
  func.func @_sc_body(%arg0: i32, %arg1: i32, %arg2: memref<65536xi32, #tpu.memory_space<hbm>>, %arg3: memref<65536x512xf32, #tpu.memory_space<hbm>>, %arg4: memref<8192xf32, #tpu.memory_space<hbm>>, %arg5: memref<4096xi32, #tpu.memory_space<vmem>>, %arg6: memref<64xi32, #tpu.memory_space<vmem>>, %arg7: memref<64x512xf32, #tpu.memory_space<vmem>>, %arg8: memref<512xf32, #tpu.memory_space<vmem>>, %arg9: memref<!tpu.dma_semaphore, #tpu.memory_space<semaphore_mem>>) attributes {dimension_semantics = [#tpu.dimension_semantics<core_parallel>, #tpu.dimension_semantics<subcore_parallel>], iteration_bounds = array<i64: 2, 16>, scalar_prefetch = 0 : i64, scratch_operands = 5 : i64, tpu.core_type = #tpu.core_type<sc_vector_subcore>, window_params = [{transform_indices = #map}, {transform_indices = #map1}, {transform_indices = #map}]} {
    %mul3A = arith.constant 2 : i32
    %mul3A_0 = arith.muli %arg1, %mul3A : i32
    %add3A = arith.addi %mul3A_0, %arg0 : i32
    %lt3A = arith.constant 16 : i32
    %lt3A_1 = arith.cmpi slt, %add3A, %lt3A : i32
    %convert_element_type3A = arith.extui %lt3A_1 : i1 to i32
    %cond3A = arith.constant 0 : i32
    %cond3A_2 = arith.cmpi ne, %convert_element_type3A, %cond3A : i32
    scf.if %cond3A_2 {
      %mul3A_3 = arith.constant 4096 : i32
      %mul3A_4 = arith.muli %add3A, %mul3A_3 : i32
      "tpu.region"() ({
        %run_scoped3A = tpu.sem_alloc : memref<!tpu.dma_semaphore, #tpu.memory_space<semaphore_mem>>
        %dma_start3A_246 = tpu.memref_slice %arg2[%mul3A_4] : memref<65536xi32, #tpu.memory_space<hbm>> -> memref<4096xi32, #tpu.memory_space<hbm>>
        %dma_start3A_247 = tpu.memref_slice %arg2[%mul3A_4] : memref<65536xi32, #tpu.memory_space<hbm>> -> memref<4096xi32, #tpu.memory_space<hbm>>
        tpu.enqueue_dma source(%dma_start3A_247 : memref<4096xi32, #tpu.memory_space<hbm>>) target(%arg5 : memref<4096xi32, #tpu.memory_space<vmem>>) target_semaphore(%run_scoped3A : memref<!tpu.dma_semaphore, #tpu.memory_space<semaphore_mem>>)
        %dma_wait3A_248 = tpu.memref_slice %arg2[%mul3A_4] : memref<65536xi32, #tpu.memory_space<hbm>> -> memref<4096xi32, #tpu.memory_space<hbm>>
        %dma_wait3A_249 = tpu.memref_slice %arg2[%mul3A_4] : memref<65536xi32, #tpu.memory_space<hbm>> -> memref<4096xi32, #tpu.memory_space<hbm>>
        tpu.wait_dma2 semaphore(%run_scoped3A : memref<!tpu.dma_semaphore, #tpu.memory_space<semaphore_mem>>) src(%dma_wait3A_249 : memref<4096xi32, #tpu.memory_space<hbm>>) dst(%arg5 : memref<4096xi32, #tpu.memory_space<vmem>>)
        tpu.yield
      }) : () -> ()
      %iota3A = tpu.iota {dimensions = array<i32: 0>} : vector<16xi32>
      %broadcast_in_dim3A = arith.constant 0 : i32
      %broadcast_in_dim3A_5 = vector.broadcast %broadcast_in_dim3A : i32 to vector<16xi32>
      %scan3A = arith.constant 0 : i32
      %scan3A_6 = arith.constant 0 : i32
      %scan3A_7 = arith.constant 64 : i32
      %scan3A_8 = arith.addi %scan3A_6, %scan3A_7 : i32
      %scan3A_9 = arith.constant 1 : i32
      scf.for %scan3A_246 = %scan3A_6 to %scan3A_8 step %scan3A_9  : i32 {
        %mul3A_247 = arith.constant 4 : i32
        %mul3A_248 = arith.muli %scan3A_246, %mul3A_247 : i32
        %add3A_249 = arith.constant 0 : i32
        %add3A_250 = arith.addi %mul3A_248, %add3A_249 : i32
        %mul3A_251 = arith.constant 16 : i32
        %mul3A_252 = arith.muli %add3A_250, %mul3A_251 : i32
        %get3A = arith.index_cast %mul3A_252 : i32 to index
        %get3A_253 = tpu.vector_load %arg5[%get3A] {strides = array<i32>} : memref<4096xi32, #tpu.memory_space<vmem>>, vector<16xi32>,
        %mul3A_254 = arith.constant 4096 : i32
        %mul3A_255 = arith.muli %add3A, %mul3A_254 : i32
        %mul3A_256 = arith.constant 4 : i32
        %mul3A_257 = arith.muli %scan3A_246, %mul3A_256 : i32
        %add3A_258 = arith.constant 0 : i32
        %add3A_259 = arith.addi %mul3A_257, %add3A_258 : i32
        %mul3A_260 = arith.constant 16 : i32
        %mul3A_261 = arith.muli %add3A_259, %mul3A_260 : i32
        %add3A_262 = arith.addi %mul3A_255, %mul3A_261 : i32
        %add3A_263 = vector.broadcast %add3A_262 : i32 to vector<16xi32>
        %add3A_264 = arith.addi %add3A_263, %iota3A : vector<16xi32>
        %ge3A = arith.cmpi sge, %get3A_253, %broadcast_in_dim3A_5 : vector<16xi32>
        tpu.vector_store_idx %arg6[%get3A_253], %add3A_264 masked %ge3A : memref<64xi32, #tpu.memory_space<vmem>>[vector<16xi32>], vector<16xi32>, vector<16xi1>
        %mul3A_265 = arith.constant 4 : i32
        %mul3A_266 = arith.muli %scan3A_246, %mul3A_265 : i32
        %add3A_267 = arith.constant 1 : i32
        %add3A_268 = arith.addi %mul3A_266, %add3A_267 : i32
        %mul3A_269 = arith.constant 16 : i32
        %mul3A_270 = arith.muli %add3A_268, %mul3A_269 : i32
        %get3A_271 = arith.index_cast %mul3A_270 : i32 to index
        %get3A_272 = tpu.vector_load %arg5[%get3A_271] {strides = array<i32>} : memref<4096xi32, #tpu.memory_space<vmem>>, vector<16xi32>,
        %mul3A_273 = arith.constant 4096 : i32
        %mul3A_274 = arith.muli %add3A, %mul3A_273 : i32
        %mul3A_275 = arith.constant 4 : i32
        %mul3A_276 = arith.muli %scan3A_246, %mul3A_275 : i32
        %add3A_277 = arith.constant 1 : i32
        %add3A_278 = arith.addi %mul3A_276, %add3A_277 : i32
        %mul3A_279 = arith.constant 16 : i32
        %mul3A_280 = arith.muli %add3A_278, %mul3A_279 : i32
        %add3A_281 = arith.addi %mul3A_274, %mul3A_280 : i32
        %add3A_282 = vector.broadcast %add3A_281 : i32 to vector<16xi32>
        %add3A_283 = arith.addi %add3A_282, %iota3A : vector<16xi32>
        %ge3A_284 = arith.cmpi sge, %get3A_272, %broadcast_in_dim3A_5 : vector<16xi32>
        tpu.vector_store_idx %arg6[%get3A_272], %add3A_283 masked %ge3A_284 : memref<64xi32, #tpu.memory_space<vmem>>[vector<16xi32>], vector<16xi32>, vector<16xi1>
        %mul3A_285 = arith.constant 4 : i32
        %mul3A_286 = arith.muli %scan3A_246, %mul3A_285 : i32
        %add3A_287 = arith.constant 2 : i32
        %add3A_288 = arith.addi %mul3A_286, %add3A_287 : i32
        %mul3A_289 = arith.constant 16 : i32
        %mul3A_290 = arith.muli %add3A_288, %mul3A_289 : i32
        %get3A_291 = arith.index_cast %mul3A_290 : i32 to index
        %get3A_292 = tpu.vector_load %arg5[%get3A_291] {strides = array<i32>} : memref<4096xi32, #tpu.memory_space<vmem>>, vector<16xi32>,
        %mul3A_293 = arith.constant 4096 : i32
        %mul3A_294 = arith.muli %add3A, %mul3A_293 : i32
        %mul3A_295 = arith.constant 4 : i32
        %mul3A_296 = arith.muli %scan3A_246, %mul3A_295 : i32
        %add3A_297 = arith.constant 2 : i32
        %add3A_298 = arith.addi %mul3A_296, %add3A_297 : i32
        %mul3A_299 = arith.constant 16 : i32
        %mul3A_300 = arith.muli %add3A_298, %mul3A_299 : i32
        %add3A_301 = arith.addi %mul3A_294, %mul3A_300 : i32
        %add3A_302 = vector.broadcast %add3A_301 : i32 to vector<16xi32>
        %add3A_303 = arith.addi %add3A_302, %iota3A : vector<16xi32>
        %ge3A_304 = arith.cmpi sge, %get3A_292, %broadcast_in_dim3A_5 : vector<16xi32>
        tpu.vector_store_idx %arg6[%get3A_292], %add3A_303 masked %ge3A_304 : memref<64xi32, #tpu.memory_space<vmem>>[vector<16xi32>], vector<16xi32>, vector<16xi1>
        %mul3A_305 = arith.constant 4 : i32
        %mul3A_306 = arith.muli %scan3A_246, %mul3A_305 : i32
        %add3A_307 = arith.constant 3 : i32
        %add3A_308 = arith.addi %mul3A_306, %add3A_307 : i32
        %mul3A_309 = arith.constant 16 : i32
        %mul3A_310 = arith.muli %add3A_308, %mul3A_309 : i32
        %get3A_311 = arith.index_cast %mul3A_310 : i32 to index
        %get3A_312 = tpu.vector_load %arg5[%get3A_311] {strides = array<i32>} : memref<4096xi32, #tpu.memory_space<vmem>>, vector<16xi32>,
        %mul3A_313 = arith.constant 4096 : i32
        %mul3A_314 = arith.muli %add3A, %mul3A_313 : i32
        %mul3A_315 = arith.constant 4 : i32
        %mul3A_316 = arith.muli %scan3A_246, %mul3A_315 : i32
        %add3A_317 = arith.constant 3 : i32
        %add3A_318 = arith.addi %mul3A_316, %add3A_317 : i32
        %mul3A_319 = arith.constant 16 : i32
        %mul3A_320 = arith.muli %add3A_318, %mul3A_319 : i32
        %add3A_321 = arith.addi %mul3A_314, %mul3A_320 : i32
        %add3A_322 = vector.broadcast %add3A_321 : i32 to vector<16xi32>
        %add3A_323 = arith.addi %add3A_322, %iota3A : vector<16xi32>
        %ge3A_324 = arith.cmpi sge, %get3A_312, %broadcast_in_dim3A_5 : vector<16xi32>
        tpu.vector_store_idx %arg6[%get3A_312], %add3A_323 masked %ge3A_324 : memref<64xi32, #tpu.memory_space<vmem>>[vector<16xi32>], vector<16xi32>, vector<16xi1>
      }
      %scan3A_10 = arith.constant 64 : i32
      %dma_start3A = arith.constant 0 : i32
      %dma_start3A_11 = arith.constant 0 : i32
      %dma_start3A_12 = tpu.memref_slice %arg3[%dma_start3A, %dma_start3A_11] : memref<65536x512xf32, #tpu.memory_space<hbm>> -> memref<65536x512xf32, #tpu.memory_space<hbm>>
      tpu.enqueue_indirect_dma source(%dma_start3A_12 : memref<65536x512xf32, #tpu.memory_space<hbm>>) target(%arg7 : memref<64x512xf32, #tpu.memory_space<vmem>>) offsets(%arg6 : memref<64xi32, #tpu.memory_space<vmem>>) semaphore(%arg9 : memref<!tpu.dma_semaphore, #tpu.memory_space<semaphore_mem>>)
      %dma_wait3A = arith.constant 0 : i32
      %dma_wait3A_13 = arith.constant 0 : i32
      %dma_wait3A_14 = tpu.memref_slice %arg3[%dma_wait3A, %dma_wait3A_13] : memref<65536x512xf32, #tpu.memory_space<hbm>> -> memref<65536x512xf32, #tpu.memory_space<hbm>>
      tpu.wait_indirect_dma semaphore(%arg9 : memref<!tpu.dma_semaphore, #tpu.memory_space<semaphore_mem>>) src(%dma_wait3A_14 : memref<65536x512xf32, #tpu.memory_space<hbm>>) dst(%arg7 : memref<64x512xf32, #tpu.memory_space<vmem>>)
      %broadcast_in_dim3A_15 = arith.constant 0.000000e+00 : f32
      %broadcast_in_dim3A_16 = vector.broadcast %broadcast_in_dim3A_15 : f32 to vector<16xf32>
      %broadcast_in_dim3A_17 = arith.constant 0.000000e+00 : f32
      %broadcast_in_dim3A_18 = vector.broadcast %broadcast_in_dim3A_17 : f32 to vector<16xf32>
      %broadcast_in_dim3A_19 = arith.constant 0.000000e+00 : f32
      %broadcast_in_dim3A_20 = vector.broadcast %broadcast_in_dim3A_19 : f32 to vector<16xf32>
      %broadcast_in_dim3A_21 = arith.constant 0.000000e+00 : f32
      %broadcast_in_dim3A_22 = vector.broadcast %broadcast_in_dim3A_21 : f32 to vector<16xf32>
      %broadcast_in_dim3A_23 = arith.constant 0.000000e+00 : f32
      %broadcast_in_dim3A_24 = vector.broadcast %broadcast_in_dim3A_23 : f32 to vector<16xf32>
      %broadcast_in_dim3A_25 = arith.constant 0.000000e+00 : f32
      %broadcast_in_dim3A_26 = vector.broadcast %broadcast_in_dim3A_25 : f32 to vector<16xf32>
      %broadcast_in_dim3A_27 = arith.constant 0.000000e+00 : f32
      %broadcast_in_dim3A_28 = vector.broadcast %broadcast_in_dim3A_27 : f32 to vector<16xf32>
      %broadcast_in_dim3A_29 = arith.constant 0.000000e+00 : f32
      %broadcast_in_dim3A_30 = vector.broadcast %broadcast_in_dim3A_29 : f32 to vector<16xf32>
      %broadcast_in_dim3A_31 = arith.constant 0.000000e+00 : f32
      %broadcast_in_dim3A_32 = vector.broadcast %broadcast_in_dim3A_31 : f32 to vector<16xf32>
      %broadcast_in_dim3A_33 = arith.constant 0.000000e+00 : f32
      %broadcast_in_dim3A_34 = vector.broadcast %broadcast_in_dim3A_33 : f32 to vector<16xf32>
      %broadcast_in_dim3A_35 = arith.constant 0.000000e+00 : f32
      %broadcast_in_dim3A_36 = vector.broadcast %broadcast_in_dim3A_35 : f32 to vector<16xf32>
      %broadcast_in_dim3A_37 = arith.constant 0.000000e+00 : f32
      %broadcast_in_dim3A_38 = vector.broadcast %broadcast_in_dim3A_37 : f32 to vector<16xf32>
      %broadcast_in_dim3A_39 = arith.constant 0.000000e+00 : f32
      %broadcast_in_dim3A_40 = vector.broadcast %broadcast_in_dim3A_39 : f32 to vector<16xf32>
      %broadcast_in_dim3A_41 = arith.constant 0.000000e+00 : f32
      %broadcast_in_dim3A_42 = vector.broadcast %broadcast_in_dim3A_41 : f32 to vector<16xf32>
      %broadcast_in_dim3A_43 = arith.constant 0.000000e+00 : f32
      %broadcast_in_dim3A_44 = vector.broadcast %broadcast_in_dim3A_43 : f32 to vector<16xf32>
      %broadcast_in_dim3A_45 = arith.constant 0.000000e+00 : f32
      %broadcast_in_dim3A_46 = vector.broadcast %broadcast_in_dim3A_45 : f32 to vector<16xf32>
      %broadcast_in_dim3A_47 = arith.constant 0.000000e+00 : f32
      %broadcast_in_dim3A_48 = vector.broadcast %broadcast_in_dim3A_47 : f32 to vector<16xf32>
      %broadcast_in_dim3A_49 = arith.constant 0.000000e+00 : f32
      %broadcast_in_dim3A_50 = vector.broadcast %broadcast_in_dim3A_49 : f32 to vector<16xf32>
      %broadcast_in_dim3A_51 = arith.constant 0.000000e+00 : f32
      %broadcast_in_dim3A_52 = vector.broadcast %broadcast_in_dim3A_51 : f32 to vector<16xf32>
      %broadcast_in_dim3A_53 = arith.constant 0.000000e+00 : f32
      %broadcast_in_dim3A_54 = vector.broadcast %broadcast_in_dim3A_53 : f32 to vector<16xf32>
      %broadcast_in_dim3A_55 = arith.constant 0.000000e+00 : f32
      %broadcast_in_dim3A_56 = vector.broadcast %broadcast_in_dim3A_55 : f32 to vector<16xf32>
      %broadcast_in_dim3A_57 = arith.constant 0.000000e+00 : f32
      %broadcast_in_dim3A_58 = vector.broadcast %broadcast_in_dim3A_57 : f32 to vector<16xf32>
      %broadcast_in_dim3A_59 = arith.constant 0.000000e+00 : f32
      %broadcast_in_dim3A_60 = vector.broadcast %broadcast_in_dim3A_59 : f32 to vector<16xf32>
      %broadcast_in_dim3A_61 = arith.constant 0.000000e+00 : f32
      %broadcast_in_dim3A_62 = vector.broadcast %broadcast_in_dim3A_61 : f32 to vector<16xf32>
      %broadcast_in_dim3A_63 = arith.constant 0.000000e+00 : f32
      %broadcast_in_dim3A_64 = vector.broadcast %broadcast_in_dim3A_63 : f32 to vector<16xf32>
      %broadcast_in_dim3A_65 = arith.constant 0.000000e+00 : f32
      %broadcast_in_dim3A_66 = vector.broadcast %broadcast_in_dim3A_65 : f32 to vector<16xf32>
      %broadcast_in_dim3A_67 = arith.constant 0.000000e+00 : f32
      %broadcast_in_dim3A_68 = vector.broadcast %broadcast_in_dim3A_67 : f32 to vector<16xf32>
      %broadcast_in_dim3A_69 = arith.constant 0.000000e+00 : f32
      %broadcast_in_dim3A_70 = vector.broadcast %broadcast_in_dim3A_69 : f32 to vector<16xf32>
      %broadcast_in_dim3A_71 = arith.constant 0.000000e+00 : f32
      %broadcast_in_dim3A_72 = vector.broadcast %broadcast_in_dim3A_71 : f32 to vector<16xf32>
      %broadcast_in_dim3A_73 = arith.constant 0.000000e+00 : f32
      %broadcast_in_dim3A_74 = vector.broadcast %broadcast_in_dim3A_73 : f32 to vector<16xf32>
      %broadcast_in_dim3A_75 = arith.constant 0.000000e+00 : f32
      %broadcast_in_dim3A_76 = vector.broadcast %broadcast_in_dim3A_75 : f32 to vector<16xf32>
      %broadcast_in_dim3A_77 = arith.constant 0.000000e+00 : f32
      %broadcast_in_dim3A_78 = vector.broadcast %broadcast_in_dim3A_77 : f32 to vector<16xf32>
      %scan3A_79 = arith.constant 0 : i32
      %scan3A_80 = arith.constant 32 : i32
      %scan3A_81 = arith.addi %scan3A_79, %scan3A_80 : i32
      %scan3A_82 = arith.constant 1 : i32
      %scan3A_83:32 = scf.for %scan3A_246 = %scan3A_79 to %scan3A_81 step %scan3A_82 iter_args(%scan3A_247 = %broadcast_in_dim3A_16, %scan3A_248 = %broadcast_in_dim3A_18, %scan3A_249 = %broadcast_in_dim3A_20, %scan3A_250 = %broadcast_in_dim3A_22, %scan3A_251 = %broadcast_in_dim3A_24, %scan3A_252 = %broadcast_in_dim3A_26, %scan3A_253 = %broadcast_in_dim3A_28, %scan3A_254 = %broadcast_in_dim3A_30, %scan3A_255 = %broadcast_in_dim3A_32, %scan3A_256 = %broadcast_in_dim3A_34, %scan3A_257 = %broadcast_in_dim3A_36, %scan3A_258 = %broadcast_in_dim3A_38, %scan3A_259 = %broadcast_in_dim3A_40, %scan3A_260 = %broadcast_in_dim3A_42, %scan3A_261 = %broadcast_in_dim3A_44, %scan3A_262 = %broadcast_in_dim3A_46, %scan3A_263 = %broadcast_in_dim3A_48, %scan3A_264 = %broadcast_in_dim3A_50, %scan3A_265 = %broadcast_in_dim3A_52, %scan3A_266 = %broadcast_in_dim3A_54, %scan3A_267 = %broadcast_in_dim3A_56, %scan3A_268 = %broadcast_in_dim3A_58, %scan3A_269 = %broadcast_in_dim3A_60, %scan3A_270 = %broadcast_in_dim3A_62, %scan3A_271 = %broadcast_in_dim3A_64, %scan3A_272 = %broadcast_in_dim3A_66, %scan3A_273 = %broadcast_in_dim3A_68, %scan3A_274 = %broadcast_in_dim3A_70, %scan3A_275 = %broadcast_in_dim3A_72, %scan3A_276 = %broadcast_in_dim3A_74, %scan3A_277 = %broadcast_in_dim3A_76, %scan3A_278 = %broadcast_in_dim3A_78) -> (vector<16xf32>, vector<16xf32>, vector<16xf32>, vector<16xf32>, vector<16xf32>, vector<16xf32>, vector<16xf32>, vector<16xf32>, vector<16xf32>, vector<16xf32>, vector<16xf32>, vector<16xf32>, vector<16xf32>, vector<16xf32>, vector<16xf32>, vector<16xf32>, vector<16xf32>, vector<16xf32>, vector<16xf32>, vector<16xf32>, vector<16xf32>, vector<16xf32>, vector<16xf32>, vector<16xf32>, vector<16xf32>, vector<16xf32>, vector<16xf32>, vector<16xf32>, vector<16xf32>, vector<16xf32>, vector<16xf32>, vector<16xf32>)  : i32 {
        %mul3A_279 = arith.constant 2 : i32
        %mul3A_280 = arith.muli %mul3A_279, %scan3A_246 : i32
        %get3A = arith.index_cast %mul3A_280 : i32 to index
        %get3A_281 = arith.constant 0 : index
        %get3A_282 = tpu.vector_load %arg7[%get3A, %get3A_281] {strides = array<i32>} : memref<64x512xf32, #tpu.memory_space<vmem>>, vector<16xf32>,
        %add3A_283 = arith.addf %scan3A_247, %get3A_282 : vector<16xf32>
        %mul3A_284 = arith.constant 2 : i32
        %mul3A_285 = arith.muli %mul3A_284, %scan3A_246 : i32
        %add3A_286 = arith.constant 1 : i32
        %add3A_287 = arith.addi %mul3A_285, %add3A_286 : i32
        %get3A_288 = arith.index_cast %add3A_287 : i32 to index
        %get3A_289 = arith.constant 0 : index
        %get3A_290 = tpu.vector_load %arg7[%get3A_288, %get3A_289] {strides = array<i32>} : memref<64x512xf32, #tpu.memory_space<vmem>>, vector<16xf32>,
        %add3A_291 = arith.addf %add3A_283, %get3A_290 : vector<16xf32>
        %mul3A_292 = arith.constant 2 : i32
        %mul3A_293 = arith.muli %mul3A_292, %scan3A_246 : i32
        %get3A_294 = arith.index_cast %mul3A_293 : i32 to index
        %get3A_295 = arith.constant 16 : index
        %get3A_296 = tpu.vector_load %arg7[%get3A_294, %get3A_295] {strides = array<i32>} : memref<64x512xf32, #tpu.memory_space<vmem>>, vector<16xf32>,
        %add3A_297 = arith.addf %scan3A_248, %get3A_296 : vector<16xf32>
        %mul3A_298 = arith.constant 2 : i32
        %mul3A_299 = arith.muli %mul3A_298, %scan3A_246 : i32
        %add3A_300 = arith.constant 1 : i32
        %add3A_301 = arith.addi %mul3A_299, %add3A_300 : i32
        %get3A_302 = arith.index_cast %add3A_301 : i32 to index
        %get3A_303 = arith.constant 16 : index
        %get3A_304 = tpu.vector_load %arg7[%get3A_302, %get3A_303] {strides = array<i32>} : memref<64x512xf32, #tpu.memory_space<vmem>>, vector<16xf32>,
        %add3A_305 = arith.addf %add3A_297, %get3A_304 : vector<16xf32>
        %mul3A_306 = arith.constant 2 : i32
        %mul3A_307 = arith.muli %mul3A_306, %scan3A_246 : i32
        %get3A_308 = arith.index_cast %mul3A_307 : i32 to index
        %get3A_309 = arith.constant 32 : index
        %get3A_310 = tpu.vector_load %arg7[%get3A_308, %get3A_309] {strides = array<i32>} : memref<64x512xf32, #tpu.memory_space<vmem>>, vector<16xf32>,
        %add3A_311 = arith.addf %scan3A_249, %get3A_310 : vector<16xf32>
        %mul3A_312 = arith.constant 2 : i32
        %mul3A_313 = arith.muli %mul3A_312, %scan3A_246 : i32
        %add3A_314 = arith.constant 1 : i32
        %add3A_315 = arith.addi %mul3A_313, %add3A_314 : i32
        %get3A_316 = arith.index_cast %add3A_315 : i32 to index
        %get3A_317 = arith.constant 32 : index
        %get3A_318 = tpu.vector_load %arg7[%get3A_316, %get3A_317] {strides = array<i32>} : memref<64x512xf32, #tpu.memory_space<vmem>>, vector<16xf32>,
        %add3A_319 = arith.addf %add3A_311, %get3A_318 : vector<16xf32>
        %mul3A_320 = arith.constant 2 : i32
        %mul3A_321 = arith.muli %mul3A_320, %scan3A_246 : i32
        %get3A_322 = arith.index_cast %mul3A_321 : i32 to index
        %get3A_323 = arith.constant 48 : index
        %get3A_324 = tpu.vector_load %arg7[%get3A_322, %get3A_323] {strides = array<i32>} : memref<64x512xf32, #tpu.memory_space<vmem>>, vector<16xf32>,
        %add3A_325 = arith.addf %scan3A_250, %get3A_324 : vector<16xf32>
        %mul3A_326 = arith.constant 2 : i32
        %mul3A_327 = arith.muli %mul3A_326, %scan3A_246 : i32
        %add3A_328 = arith.constant 1 : i32
        %add3A_329 = arith.addi %mul3A_327, %add3A_328 : i32
        %get3A_330 = arith.index_cast %add3A_329 : i32 to index
        %get3A_331 = arith.constant 48 : index
        %get3A_332 = tpu.vector_load %arg7[%get3A_330, %get3A_331] {strides = array<i32>} : memref<64x512xf32, #tpu.memory_space<vmem>>, vector<16xf32>,
        %add3A_333 = arith.addf %add3A_325, %get3A_332 : vector<16xf32>
        %mul3A_334 = arith.constant 2 : i32
        %mul3A_335 = arith.muli %mul3A_334, %scan3A_246 : i32
        %get3A_336 = arith.index_cast %mul3A_335 : i32 to index
        %get3A_337 = arith.constant 64 : index
        %get3A_338 = tpu.vector_load %arg7[%get3A_336, %get3A_337] {strides = array<i32>} : memref<64x512xf32, #tpu.memory_space<vmem>>, vector<16xf32>,
        %add3A_339 = arith.addf %scan3A_251, %get3A_338 : vector<16xf32>
        %mul3A_340 = arith.constant 2 : i32
        %mul3A_341 = arith.muli %mul3A_340, %scan3A_246 : i32
        %add3A_342 = arith.constant 1 : i32
        %add3A_343 = arith.addi %mul3A_341, %add3A_342 : i32
        %get3A_344 = arith.index_cast %add3A_343 : i32 to index
        %get3A_345 = arith.constant 64 : index
        %get3A_346 = tpu.vector_load %arg7[%get3A_344, %get3A_345] {strides = array<i32>} : memref<64x512xf32, #tpu.memory_space<vmem>>, vector<16xf32>,
        %add3A_347 = arith.addf %add3A_339, %get3A_346 : vector<16xf32>
        %mul3A_348 = arith.constant 2 : i32
        %mul3A_349 = arith.muli %mul3A_348, %scan3A_246 : i32
        %get3A_350 = arith.index_cast %mul3A_349 : i32 to index
        %get3A_351 = arith.constant 80 : index
        %get3A_352 = tpu.vector_load %arg7[%get3A_350, %get3A_351] {strides = array<i32>} : memref<64x512xf32, #tpu.memory_space<vmem>>, vector<16xf32>,
        %add3A_353 = arith.addf %scan3A_252, %get3A_352 : vector<16xf32>
        %mul3A_354 = arith.constant 2 : i32
        %mul3A_355 = arith.muli %mul3A_354, %scan3A_246 : i32
        %add3A_356 = arith.constant 1 : i32
        %add3A_357 = arith.addi %mul3A_355, %add3A_356 : i32
        %get3A_358 = arith.index_cast %add3A_357 : i32 to index
        %get3A_359 = arith.constant 80 : index
        %get3A_360 = tpu.vector_load %arg7[%get3A_358, %get3A_359] {strides = array<i32>} : memref<64x512xf32, #tpu.memory_space<vmem>>, vector<16xf32>,
        %add3A_361 = arith.addf %add3A_353, %get3A_360 : vector<16xf32>
        %mul3A_362 = arith.constant 2 : i32
        %mul3A_363 = arith.muli %mul3A_362, %scan3A_246 : i32
        %get3A_364 = arith.index_cast %mul3A_363 : i32 to index
        %get3A_365 = arith.constant 96 : index
        %get3A_366 = tpu.vector_load %arg7[%get3A_364, %get3A_365] {strides = array<i32>} : memref<64x512xf32, #tpu.memory_space<vmem>>, vector<16xf32>,
        %add3A_367 = arith.addf %scan3A_253, %get3A_366 : vector<16xf32>
        %mul3A_368 = arith.constant 2 : i32
        %mul3A_369 = arith.muli %mul3A_368, %scan3A_246 : i32
        %add3A_370 = arith.constant 1 : i32
        %add3A_371 = arith.addi %mul3A_369, %add3A_370 : i32
        %get3A_372 = arith.index_cast %add3A_371 : i32 to index
        %get3A_373 = arith.constant 96 : index
        %get3A_374 = tpu.vector_load %arg7[%get3A_372, %get3A_373] {strides = array<i32>} : memref<64x512xf32, #tpu.memory_space<vmem>>, vector<16xf32>,
        %add3A_375 = arith.addf %add3A_367, %get3A_374 : vector<16xf32>
        %mul3A_376 = arith.constant 2 : i32
        %mul3A_377 = arith.muli %mul3A_376, %scan3A_246 : i32
        %get3A_378 = arith.index_cast %mul3A_377 : i32 to index
        %get3A_379 = arith.constant 112 : index
        %get3A_380 = tpu.vector_load %arg7[%get3A_378, %get3A_379] {strides = array<i32>} : memref<64x512xf32, #tpu.memory_space<vmem>>, vector<16xf32>,
        %add3A_381 = arith.addf %scan3A_254, %get3A_380 : vector<16xf32>
        %mul3A_382 = arith.constant 2 : i32
        %mul3A_383 = arith.muli %mul3A_382, %scan3A_246 : i32
        %add3A_384 = arith.constant 1 : i32
        %add3A_385 = arith.addi %mul3A_383, %add3A_384 : i32
        %get3A_386 = arith.index_cast %add3A_385 : i32 to index
        %get3A_387 = arith.constant 112 : index
        %get3A_388 = tpu.vector_load %arg7[%get3A_386, %get3A_387] {strides = array<i32>} : memref<64x512xf32, #tpu.memory_space<vmem>>, vector<16xf32>,
        %add3A_389 = arith.addf %add3A_381, %get3A_388 : vector<16xf32>
        %mul3A_390 = arith.constant 2 : i32
        %mul3A_391 = arith.muli %mul3A_390, %scan3A_246 : i32
        %get3A_392 = arith.index_cast %mul3A_391 : i32 to index
        %get3A_393 = arith.constant 128 : index
        %get3A_394 = tpu.vector_load %arg7[%get3A_392, %get3A_393] {strides = array<i32>} : memref<64x512xf32, #tpu.memory_space<vmem>>, vector<16xf32>,
        %add3A_395 = arith.addf %scan3A_255, %get3A_394 : vector<16xf32>
        %mul3A_396 = arith.constant 2 : i32
        %mul3A_397 = arith.muli %mul3A_396, %scan3A_246 : i32
        %add3A_398 = arith.constant 1 : i32
        %add3A_399 = arith.addi %mul3A_397, %add3A_398 : i32
        %get3A_400 = arith.index_cast %add3A_399 : i32 to index
        %get3A_401 = arith.constant 128 : index
        %get3A_402 = tpu.vector_load %arg7[%get3A_400, %get3A_401] {strides = array<i32>} : memref<64x512xf32, #tpu.memory_space<vmem>>, vector<16xf32>,
        %add3A_403 = arith.addf %add3A_395, %get3A_402 : vector<16xf32>
        %mul3A_404 = arith.constant 2 : i32
        %mul3A_405 = arith.muli %mul3A_404, %scan3A_246 : i32
        %get3A_406 = arith.index_cast %mul3A_405 : i32 to index
        %get3A_407 = arith.constant 144 : index
        %get3A_408 = tpu.vector_load %arg7[%get3A_406, %get3A_407] {strides = array<i32>} : memref<64x512xf32, #tpu.memory_space<vmem>>, vector<16xf32>,
        %add3A_409 = arith.addf %scan3A_256, %get3A_408 : vector<16xf32>
        %mul3A_410 = arith.constant 2 : i32
        %mul3A_411 = arith.muli %mul3A_410, %scan3A_246 : i32
        %add3A_412 = arith.constant 1 : i32
        %add3A_413 = arith.addi %mul3A_411, %add3A_412 : i32
        %get3A_414 = arith.index_cast %add3A_413 : i32 to index
        %get3A_415 = arith.constant 144 : index
        %get3A_416 = tpu.vector_load %arg7[%get3A_414, %get3A_415] {strides = array<i32>} : memref<64x512xf32, #tpu.memory_space<vmem>>, vector<16xf32>,
        %add3A_417 = arith.addf %add3A_409, %get3A_416 : vector<16xf32>
        %mul3A_418 = arith.constant 2 : i32
        %mul3A_419 = arith.muli %mul3A_418, %scan3A_246 : i32
        %get3A_420 = arith.index_cast %mul3A_419 : i32 to index
        %get3A_421 = arith.constant 160 : index
        %get3A_422 = tpu.vector_load %arg7[%get3A_420, %get3A_421] {strides = array<i32>} : memref<64x512xf32, #tpu.memory_space<vmem>>, vector<16xf32>,
        %add3A_423 = arith.addf %scan3A_257, %get3A_422 : vector<16xf32>
        %mul3A_424 = arith.constant 2 : i32
        %mul3A_425 = arith.muli %mul3A_424, %scan3A_246 : i32
        %add3A_426 = arith.constant 1 : i32
        %add3A_427 = arith.addi %mul3A_425, %add3A_426 : i32
        %get3A_428 = arith.index_cast %add3A_427 : i32 to index
        %get3A_429 = arith.constant 160 : index
        %get3A_430 = tpu.vector_load %arg7[%get3A_428, %get3A_429] {strides = array<i32>} : memref<64x512xf32, #tpu.memory_space<vmem>>, vector<16xf32>,
        %add3A_431 = arith.addf %add3A_423, %get3A_430 : vector<16xf32>
        %mul3A_432 = arith.constant 2 : i32
        %mul3A_433 = arith.muli %mul3A_432, %scan3A_246 : i32
        %get3A_434 = arith.index_cast %mul3A_433 : i32 to index
        %get3A_435 = arith.constant 176 : index
        %get3A_436 = tpu.vector_load %arg7[%get3A_434, %get3A_435] {strides = array<i32>} : memref<64x512xf32, #tpu.memory_space<vmem>>, vector<16xf32>,
        %add3A_437 = arith.addf %scan3A_258, %get3A_436 : vector<16xf32>
        %mul3A_438 = arith.constant 2 : i32
        %mul3A_439 = arith.muli %mul3A_438, %scan3A_246 : i32
        %add3A_440 = arith.constant 1 : i32
        %add3A_441 = arith.addi %mul3A_439, %add3A_440 : i32
        %get3A_442 = arith.index_cast %add3A_441 : i32 to index
        %get3A_443 = arith.constant 176 : index
        %get3A_444 = tpu.vector_load %arg7[%get3A_442, %get3A_443] {strides = array<i32>} : memref<64x512xf32, #tpu.memory_space<vmem>>, vector<16xf32>,
        %add3A_445 = arith.addf %add3A_437, %get3A_444 : vector<16xf32>
        %mul3A_446 = arith.constant 2 : i32
        %mul3A_447 = arith.muli %mul3A_446, %scan3A_246 : i32
        %get3A_448 = arith.index_cast %mul3A_447 : i32 to index
        %get3A_449 = arith.constant 192 : index
        %get3A_450 = tpu.vector_load %arg7[%get3A_448, %get3A_449] {strides = array<i32>} : memref<64x512xf32, #tpu.memory_space<vmem>>, vector<16xf32>,
        %add3A_451 = arith.addf %scan3A_259, %get3A_450 : vector<16xf32>
        %mul3A_452 = arith.constant 2 : i32
        %mul3A_453 = arith.muli %mul3A_452, %scan3A_246 : i32
        %add3A_454 = arith.constant 1 : i32
        %add3A_455 = arith.addi %mul3A_453, %add3A_454 : i32
        %get3A_456 = arith.index_cast %add3A_455 : i32 to index
        %get3A_457 = arith.constant 192 : index
        %get3A_458 = tpu.vector_load %arg7[%get3A_456, %get3A_457] {strides = array<i32>} : memref<64x512xf32, #tpu.memory_space<vmem>>, vector<16xf32>,
        %add3A_459 = arith.addf %add3A_451, %get3A_458 : vector<16xf32>
        %mul3A_460 = arith.constant 2 : i32
        %mul3A_461 = arith.muli %mul3A_460, %scan3A_246 : i32
        %get3A_462 = arith.index_cast %mul3A_461 : i32 to index
        %get3A_463 = arith.constant 208 : index
        %get3A_464 = tpu.vector_load %arg7[%get3A_462, %get3A_463] {strides = array<i32>} : memref<64x512xf32, #tpu.memory_space<vmem>>, vector<16xf32>,
        %add3A_465 = arith.addf %scan3A_260, %get3A_464 : vector<16xf32>
        %mul3A_466 = arith.constant 2 : i32
        %mul3A_467 = arith.muli %mul3A_466, %scan3A_246 : i32
        %add3A_468 = arith.constant 1 : i32
        %add3A_469 = arith.addi %mul3A_467, %add3A_468 : i32
        %get3A_470 = arith.index_cast %add3A_469 : i32 to index
        %get3A_471 = arith.constant 208 : index
        %get3A_472 = tpu.vector_load %arg7[%get3A_470, %get3A_471] {strides = array<i32>} : memref<64x512xf32, #tpu.memory_space<vmem>>, vector<16xf32>,
        %add3A_473 = arith.addf %add3A_465, %get3A_472 : vector<16xf32>
        %mul3A_474 = arith.constant 2 : i32
        %mul3A_475 = arith.muli %mul3A_474, %scan3A_246 : i32
        %get3A_476 = arith.index_cast %mul3A_475 : i32 to index
        %get3A_477 = arith.constant 224 : index
        %get3A_478 = tpu.vector_load %arg7[%get3A_476, %get3A_477] {strides = array<i32>} : memref<64x512xf32, #tpu.memory_space<vmem>>, vector<16xf32>,
        %add3A_479 = arith.addf %scan3A_261, %get3A_478 : vector<16xf32>
        %mul3A_480 = arith.constant 2 : i32
        %mul3A_481 = arith.muli %mul3A_480, %scan3A_246 : i32
        %add3A_482 = arith.constant 1 : i32
        %add3A_483 = arith.addi %mul3A_481, %add3A_482 : i32
        %get3A_484 = arith.index_cast %add3A_483 : i32 to index
        %get3A_485 = arith.constant 224 : index
        %get3A_486 = tpu.vector_load %arg7[%get3A_484, %get3A_485] {strides = array<i32>} : memref<64x512xf32, #tpu.memory_space<vmem>>, vector<16xf32>,
        %add3A_487 = arith.addf %add3A_479, %get3A_486 : vector<16xf32>
        %mul3A_488 = arith.constant 2 : i32
        %mul3A_489 = arith.muli %mul3A_488, %scan3A_246 : i32
        %get3A_490 = arith.index_cast %mul3A_489 : i32 to index
        %get3A_491 = arith.constant 240 : index
        %get3A_492 = tpu.vector_load %arg7[%get3A_490, %get3A_491] {strides = array<i32>} : memref<64x512xf32, #tpu.memory_space<vmem>>, vector<16xf32>,
        %add3A_493 = arith.addf %scan3A_262, %get3A_492 : vector<16xf32>
        %mul3A_494 = arith.constant 2 : i32
        %mul3A_495 = arith.muli %mul3A_494, %scan3A_246 : i32
        %add3A_496 = arith.constant 1 : i32
        %add3A_497 = arith.addi %mul3A_495, %add3A_496 : i32
        %get3A_498 = arith.index_cast %add3A_497 : i32 to index
        %get3A_499 = arith.constant 240 : index
        %get3A_500 = tpu.vector_load %arg7[%get3A_498, %get3A_499] {strides = array<i32>} : memref<64x512xf32, #tpu.memory_space<vmem>>, vector<16xf32>,
        %add3A_501 = arith.addf %add3A_493, %get3A_500 : vector<16xf32>
        %mul3A_502 = arith.constant 2 : i32
        %mul3A_503 = arith.muli %mul3A_502, %scan3A_246 : i32
        %get3A_504 = arith.index_cast %mul3A_503 : i32 to index
        %get3A_505 = arith.constant 256 : index
        %get3A_506 = tpu.vector_load %arg7[%get3A_504, %get3A_505] {strides = array<i32>} : memref<64x512xf32, #tpu.memory_space<vmem>>, vector<16xf32>,
        %add3A_507 = arith.addf %scan3A_263, %get3A_506 : vector<16xf32>
        %mul3A_508 = arith.constant 2 : i32
        %mul3A_509 = arith.muli %mul3A_508, %scan3A_246 : i32
        %add3A_510 = arith.constant 1 : i32
        %add3A_511 = arith.addi %mul3A_509, %add3A_510 : i32
        %get3A_512 = arith.index_cast %add3A_511 : i32 to index
        %get3A_513 = arith.constant 256 : index
        %get3A_514 = tpu.vector_load %arg7[%get3A_512, %get3A_513] {strides = array<i32>} : memref<64x512xf32, #tpu.memory_space<vmem>>, vector<16xf32>,
        %add3A_515 = arith.addf %add3A_507, %get3A_514 : vector<16xf32>
        %mul3A_516 = arith.constant 2 : i32
        %mul3A_517 = arith.muli %mul3A_516, %scan3A_246 : i32
        %get3A_518 = arith.index_cast %mul3A_517 : i32 to index
        %get3A_519 = arith.constant 272 : index
        %get3A_520 = tpu.vector_load %arg7[%get3A_518, %get3A_519] {strides = array<i32>} : memref<64x512xf32, #tpu.memory_space<vmem>>, vector<16xf32>,
        %add3A_521 = arith.addf %scan3A_264, %get3A_520 : vector<16xf32>
        %mul3A_522 = arith.constant 2 : i32
        %mul3A_523 = arith.muli %mul3A_522, %scan3A_246 : i32
        %add3A_524 = arith.constant 1 : i32
        %add3A_525 = arith.addi %mul3A_523, %add3A_524 : i32
        %get3A_526 = arith.index_cast %add3A_525 : i32 to index
        %get3A_527 = arith.constant 272 : index
        %get3A_528 = tpu.vector_load %arg7[%get3A_526, %get3A_527] {strides = array<i32>} : memref<64x512xf32, #tpu.memory_space<vmem>>, vector<16xf32>,
        %add3A_529 = arith.addf %add3A_521, %get3A_528 : vector<16xf32>
        %mul3A_530 = arith.constant 2 : i32
        %mul3A_531 = arith.muli %mul3A_530, %scan3A_246 : i32
        %get3A_532 = arith.index_cast %mul3A_531 : i32 to index
        %get3A_533 = arith.constant 288 : index
        %get3A_534 = tpu.vector_load %arg7[%get3A_532, %get3A_533] {strides = array<i32>} : memref<64x512xf32, #tpu.memory_space<vmem>>, vector<16xf32>,
        %add3A_535 = arith.addf %scan3A_265, %get3A_534 : vector<16xf32>
        %mul3A_536 = arith.constant 2 : i32
        %mul3A_537 = arith.muli %mul3A_536, %scan3A_246 : i32
        %add3A_538 = arith.constant 1 : i32
        %add3A_539 = arith.addi %mul3A_537, %add3A_538 : i32
        %get3A_540 = arith.index_cast %add3A_539 : i32 to index
        %get3A_541 = arith.constant 288 : index
        %get3A_542 = tpu.vector_load %arg7[%get3A_540, %get3A_541] {strides = array<i32>} : memref<64x512xf32, #tpu.memory_space<vmem>>, vector<16xf32>,
        %add3A_543 = arith.addf %add3A_535, %get3A_542 : vector<16xf32>
        %mul3A_544 = arith.constant 2 : i32
        %mul3A_545 = arith.muli %mul3A_544, %scan3A_246 : i32
        %get3A_546 = arith.index_cast %mul3A_545 : i32 to index
        %get3A_547 = arith.constant 304 : index
        %get3A_548 = tpu.vector_load %arg7[%get3A_546, %get3A_547] {strides = array<i32>} : memref<64x512xf32, #tpu.memory_space<vmem>>, vector<16xf32>,
        %add3A_549 = arith.addf %scan3A_266, %get3A_548 : vector<16xf32>
        %mul3A_550 = arith.constant 2 : i32
        %mul3A_551 = arith.muli %mul3A_550, %scan3A_246 : i32
        %add3A_552 = arith.constant 1 : i32
        %add3A_553 = arith.addi %mul3A_551, %add3A_552 : i32
        %get3A_554 = arith.index_cast %add3A_553 : i32 to index
        %get3A_555 = arith.constant 304 : index
        %get3A_556 = tpu.vector_load %arg7[%get3A_554, %get3A_555] {strides = array<i32>} : memref<64x512xf32, #tpu.memory_space<vmem>>, vector<16xf32>,
        %add3A_557 = arith.addf %add3A_549, %get3A_556 : vector<16xf32>
        %mul3A_558 = arith.constant 2 : i32
        %mul3A_559 = arith.muli %mul3A_558, %scan3A_246 : i32
        %get3A_560 = arith.index_cast %mul3A_559 : i32 to index
        %get3A_561 = arith.constant 320 : index
        %get3A_562 = tpu.vector_load %arg7[%get3A_560, %get3A_561] {strides = array<i32>} : memref<64x512xf32, #tpu.memory_space<vmem>>, vector<16xf32>,
        %add3A_563 = arith.addf %scan3A_267, %get3A_562 : vector<16xf32>
        %mul3A_564 = arith.constant 2 : i32
        %mul3A_565 = arith.muli %mul3A_564, %scan3A_246 : i32
        %add3A_566 = arith.constant 1 : i32
        %add3A_567 = arith.addi %mul3A_565, %add3A_566 : i32
        %get3A_568 = arith.index_cast %add3A_567 : i32 to index
        %get3A_569 = arith.constant 320 : index
        %get3A_570 = tpu.vector_load %arg7[%get3A_568, %get3A_569] {strides = array<i32>} : memref<64x512xf32, #tpu.memory_space<vmem>>, vector<16xf32>,
        %add3A_571 = arith.addf %add3A_563, %get3A_570 : vector<16xf32>
        %mul3A_572 = arith.constant 2 : i32
        %mul3A_573 = arith.muli %mul3A_572, %scan3A_246 : i32
        %get3A_574 = arith.index_cast %mul3A_573 : i32 to index
        %get3A_575 = arith.constant 336 : index
        %get3A_576 = tpu.vector_load %arg7[%get3A_574, %get3A_575] {strides = array<i32>} : memref<64x512xf32, #tpu.memory_space<vmem>>, vector<16xf32>,
        %add3A_577 = arith.addf %scan3A_268, %get3A_576 : vector<16xf32>
        %mul3A_578 = arith.constant 2 : i32
        %mul3A_579 = arith.muli %mul3A_578, %scan3A_246 : i32
        %add3A_580 = arith.constant 1 : i32
        %add3A_581 = arith.addi %mul3A_579, %add3A_580 : i32
        %get3A_582 = arith.index_cast %add3A_581 : i32 to index
        %get3A_583 = arith.constant 336 : index
        %get3A_584 = tpu.vector_load %arg7[%get3A_582, %get3A_583] {strides = array<i32>} : memref<64x512xf32, #tpu.memory_space<vmem>>, vector<16xf32>,
        %add3A_585 = arith.addf %add3A_577, %get3A_584 : vector<16xf32>
        %mul3A_586 = arith.constant 2 : i32
        %mul3A_587 = arith.muli %mul3A_586, %scan3A_246 : i32
        %get3A_588 = arith.index_cast %mul3A_587 : i32 to index
        %get3A_589 = arith.constant 352 : index
        %get3A_590 = tpu.vector_load %arg7[%get3A_588, %get3A_589] {strides = array<i32>} : memref<64x512xf32, #tpu.memory_space<vmem>>, vector<16xf32>,
        %add3A_591 = arith.addf %scan3A_269, %get3A_590 : vector<16xf32>
        %mul3A_592 = arith.constant 2 : i32
        %mul3A_593 = arith.muli %mul3A_592, %scan3A_246 : i32
        %add3A_594 = arith.constant 1 : i32
        %add3A_595 = arith.addi %mul3A_593, %add3A_594 : i32
        %get3A_596 = arith.index_cast %add3A_595 : i32 to index
        %get3A_597 = arith.constant 352 : index
        %get3A_598 = tpu.vector_load %arg7[%get3A_596, %get3A_597] {strides = array<i32>} : memref<64x512xf32, #tpu.memory_space<vmem>>, vector<16xf32>,
        %add3A_599 = arith.addf %add3A_591, %get3A_598 : vector<16xf32>
        %mul3A_600 = arith.constant 2 : i32
        %mul3A_601 = arith.muli %mul3A_600, %scan3A_246 : i32
        %get3A_602 = arith.index_cast %mul3A_601 : i32 to index
        %get3A_603 = arith.constant 368 : index
        %get3A_604 = tpu.vector_load %arg7[%get3A_602, %get3A_603] {strides = array<i32>} : memref<64x512xf32, #tpu.memory_space<vmem>>, vector<16xf32>,
        %add3A_605 = arith.addf %scan3A_270, %get3A_604 : vector<16xf32>
        %mul3A_606 = arith.constant 2 : i32
        %mul3A_607 = arith.muli %mul3A_606, %scan3A_246 : i32
        %add3A_608 = arith.constant 1 : i32
        %add3A_609 = arith.addi %mul3A_607, %add3A_608 : i32
        %get3A_610 = arith.index_cast %add3A_609 : i32 to index
        %get3A_611 = arith.constant 368 : index
        %get3A_612 = tpu.vector_load %arg7[%get3A_610, %get3A_611] {strides = array<i32>} : memref<64x512xf32, #tpu.memory_space<vmem>>, vector<16xf32>,
        %add3A_613 = arith.addf %add3A_605, %get3A_612 : vector<16xf32>
        %mul3A_614 = arith.constant 2 : i32
        %mul3A_615 = arith.muli %mul3A_614, %scan3A_246 : i32
        %get3A_616 = arith.index_cast %mul3A_615 : i32 to index
        %get3A_617 = arith.constant 384 : index
        %get3A_618 = tpu.vector_load %arg7[%get3A_616, %get3A_617] {strides = array<i32>} : memref<64x512xf32, #tpu.memory_space<vmem>>, vector<16xf32>,
        %add3A_619 = arith.addf %scan3A_271, %get3A_618 : vector<16xf32>
        %mul3A_620 = arith.constant 2 : i32
        %mul3A_621 = arith.muli %mul3A_620, %scan3A_246 : i32
        %add3A_622 = arith.constant 1 : i32
        %add3A_623 = arith.addi %mul3A_621, %add3A_622 : i32
        %get3A_624 = arith.index_cast %add3A_623 : i32 to index
        %get3A_625 = arith.constant 384 : index
        %get3A_626 = tpu.vector_load %arg7[%get3A_624, %get3A_625] {strides = array<i32>} : memref<64x512xf32, #tpu.memory_space<vmem>>, vector<16xf32>,
        %add3A_627 = arith.addf %add3A_619, %get3A_626 : vector<16xf32>
        %mul3A_628 = arith.constant 2 : i32
        %mul3A_629 = arith.muli %mul3A_628, %scan3A_246 : i32
        %get3A_630 = arith.index_cast %mul3A_629 : i32 to index
        %get3A_631 = arith.constant 400 : index
        %get3A_632 = tpu.vector_load %arg7[%get3A_630, %get3A_631] {strides = array<i32>} : memref<64x512xf32, #tpu.memory_space<vmem>>, vector<16xf32>,
        %add3A_633 = arith.addf %scan3A_272, %get3A_632 : vector<16xf32>
        %mul3A_634 = arith.constant 2 : i32
        %mul3A_635 = arith.muli %mul3A_634, %scan3A_246 : i32
        %add3A_636 = arith.constant 1 : i32
        %add3A_637 = arith.addi %mul3A_635, %add3A_636 : i32
        %get3A_638 = arith.index_cast %add3A_637 : i32 to index
        %get3A_639 = arith.constant 400 : index
        %get3A_640 = tpu.vector_load %arg7[%get3A_638, %get3A_639] {strides = array<i32>} : memref<64x512xf32, #tpu.memory_space<vmem>>, vector<16xf32>,
        %add3A_641 = arith.addf %add3A_633, %get3A_640 : vector<16xf32>
        %mul3A_642 = arith.constant 2 : i32
        %mul3A_643 = arith.muli %mul3A_642, %scan3A_246 : i32
        %get3A_644 = arith.index_cast %mul3A_643 : i32 to index
        %get3A_645 = arith.constant 416 : index
        %get3A_646 = tpu.vector_load %arg7[%get3A_644, %get3A_645] {strides = array<i32>} : memref<64x512xf32, #tpu.memory_space<vmem>>, vector<16xf32>,
        %add3A_647 = arith.addf %scan3A_273, %get3A_646 : vector<16xf32>
        %mul3A_648 = arith.constant 2 : i32
        %mul3A_649 = arith.muli %mul3A_648, %scan3A_246 : i32
        %add3A_650 = arith.constant 1 : i32
        %add3A_651 = arith.addi %mul3A_649, %add3A_650 : i32
        %get3A_652 = arith.index_cast %add3A_651 : i32 to index
        %get3A_653 = arith.constant 416 : index
        %get3A_654 = tpu.vector_load %arg7[%get3A_652, %get3A_653] {strides = array<i32>} : memref<64x512xf32, #tpu.memory_space<vmem>>, vector<16xf32>,
        %add3A_655 = arith.addf %add3A_647, %get3A_654 : vector<16xf32>
        %mul3A_656 = arith.constant 2 : i32
        %mul3A_657 = arith.muli %mul3A_656, %scan3A_246 : i32
        %get3A_658 = arith.index_cast %mul3A_657 : i32 to index
        %get3A_659 = arith.constant 432 : index
        %get3A_660 = tpu.vector_load %arg7[%get3A_658, %get3A_659] {strides = array<i32>} : memref<64x512xf32, #tpu.memory_space<vmem>>, vector<16xf32>,
        %add3A_661 = arith.addf %scan3A_274, %get3A_660 : vector<16xf32>
        %mul3A_662 = arith.constant 2 : i32
        %mul3A_663 = arith.muli %mul3A_662, %scan3A_246 : i32
        %add3A_664 = arith.constant 1 : i32
        %add3A_665 = arith.addi %mul3A_663, %add3A_664 : i32
        %get3A_666 = arith.index_cast %add3A_665 : i32 to index
        %get3A_667 = arith.constant 432 : index
        %get3A_668 = tpu.vector_load %arg7[%get3A_666, %get3A_667] {strides = array<i32>} : memref<64x512xf32, #tpu.memory_space<vmem>>, vector<16xf32>,
        %add3A_669 = arith.addf %add3A_661, %get3A_668 : vector<16xf32>
        %mul3A_670 = arith.constant 2 : i32
        %mul3A_671 = arith.muli %mul3A_670, %scan3A_246 : i32
        %get3A_672 = arith.index_cast %mul3A_671 : i32 to index
        %get3A_673 = arith.constant 448 : index
        %get3A_674 = tpu.vector_load %arg7[%get3A_672, %get3A_673] {strides = array<i32>} : memref<64x512xf32, #tpu.memory_space<vmem>>, vector<16xf32>,
        %add3A_675 = arith.addf %scan3A_275, %get3A_674 : vector<16xf32>
        %mul3A_676 = arith.constant 2 : i32
        %mul3A_677 = arith.muli %mul3A_676, %scan3A_246 : i32
        %add3A_678 = arith.constant 1 : i32
        %add3A_679 = arith.addi %mul3A_677, %add3A_678 : i32
        %get3A_680 = arith.index_cast %add3A_679 : i32 to index
        %get3A_681 = arith.constant 448 : index
        %get3A_682 = tpu.vector_load %arg7[%get3A_680, %get3A_681] {strides = array<i32>} : memref<64x512xf32, #tpu.memory_space<vmem>>, vector<16xf32>,
        %add3A_683 = arith.addf %add3A_675, %get3A_682 : vector<16xf32>
        %mul3A_684 = arith.constant 2 : i32
        %mul3A_685 = arith.muli %mul3A_684, %scan3A_246 : i32
        %get3A_686 = arith.index_cast %mul3A_685 : i32 to index
        %get3A_687 = arith.constant 464 : index
        %get3A_688 = tpu.vector_load %arg7[%get3A_686, %get3A_687] {strides = array<i32>} : memref<64x512xf32, #tpu.memory_space<vmem>>, vector<16xf32>,
        %add3A_689 = arith.addf %scan3A_276, %get3A_688 : vector<16xf32>
        %mul3A_690 = arith.constant 2 : i32
        %mul3A_691 = arith.muli %mul3A_690, %scan3A_246 : i32
        %add3A_692 = arith.constant 1 : i32
        %add3A_693 = arith.addi %mul3A_691, %add3A_692 : i32
        %get3A_694 = arith.index_cast %add3A_693 : i32 to index
        %get3A_695 = arith.constant 464 : index
        %get3A_696 = tpu.vector_load %arg7[%get3A_694, %get3A_695] {strides = array<i32>} : memref<64x512xf32, #tpu.memory_space<vmem>>, vector<16xf32>,
        %add3A_697 = arith.addf %add3A_689, %get3A_696 : vector<16xf32>
        %mul3A_698 = arith.constant 2 : i32
        %mul3A_699 = arith.muli %mul3A_698, %scan3A_246 : i32
        %get3A_700 = arith.index_cast %mul3A_699 : i32 to index
        %get3A_701 = arith.constant 480 : index
        %get3A_702 = tpu.vector_load %arg7[%get3A_700, %get3A_701] {strides = array<i32>} : memref<64x512xf32, #tpu.memory_space<vmem>>, vector<16xf32>,
        %add3A_703 = arith.addf %scan3A_277, %get3A_702 : vector<16xf32>
        %mul3A_704 = arith.constant 2 : i32
        %mul3A_705 = arith.muli %mul3A_704, %scan3A_246 : i32
        %add3A_706 = arith.constant 1 : i32
        %add3A_707 = arith.addi %mul3A_705, %add3A_706 : i32
        %get3A_708 = arith.index_cast %add3A_707 : i32 to index
        %get3A_709 = arith.constant 480 : index
        %get3A_710 = tpu.vector_load %arg7[%get3A_708, %get3A_709] {strides = array<i32>} : memref<64x512xf32, #tpu.memory_space<vmem>>, vector<16xf32>,
        %add3A_711 = arith.addf %add3A_703, %get3A_710 : vector<16xf32>
        %mul3A_712 = arith.constant 2 : i32
        %mul3A_713 = arith.muli %mul3A_712, %scan3A_246 : i32
        %get3A_714 = arith.index_cast %mul3A_713 : i32 to index
        %get3A_715 = arith.constant 496 : index
        %get3A_716 = tpu.vector_load %arg7[%get3A_714, %get3A_715] {strides = array<i32>} : memref<64x512xf32, #tpu.memory_space<vmem>>, vector<16xf32>,
        %add3A_717 = arith.addf %scan3A_278, %get3A_716 : vector<16xf32>
        %mul3A_718 = arith.constant 2 : i32
        %mul3A_719 = arith.muli %mul3A_718, %scan3A_246 : i32
        %add3A_720 = arith.constant 1 : i32
        %add3A_721 = arith.addi %mul3A_719, %add3A_720 : i32
        %get3A_722 = arith.index_cast %add3A_721 : i32 to index
        %get3A_723 = arith.constant 496 : index
        %get3A_724 = tpu.vector_load %arg7[%get3A_722, %get3A_723] {strides = array<i32>} : memref<64x512xf32, #tpu.memory_space<vmem>>, vector<16xf32>,
        %add3A_725 = arith.addf %add3A_717, %get3A_724 : vector<16xf32>
        scf.yield %add3A_291, %add3A_305, %add3A_319, %add3A_333, %add3A_347, %add3A_361, %add3A_375, %add3A_389, %add3A_403, %add3A_417, %add3A_431, %add3A_445, %add3A_459, %add3A_473, %add3A_487, %add3A_501, %add3A_515, %add3A_529, %add3A_543, %add3A_557, %add3A_571, %add3A_585, %add3A_599, %add3A_613, %add3A_627, %add3A_641, %add3A_655, %add3A_669, %add3A_683, %add3A_697, %add3A_711, %add3A_725 : vector<16xf32>, vector<16xf32>, vector<16xf32>, vector<16xf32>, vector<16xf32>, vector<16xf32>, vector<16xf32>, vector<16xf32>, vector<16xf32>, vector<16xf32>, vector<16xf32>, vector<16xf32>, vector<16xf32>, vector<16xf32>, vector<16xf32>, vector<16xf32>, vector<16xf32>, vector<16xf32>, vector<16xf32>, vector<16xf32>, vector<16xf32>, vector<16xf32>, vector<16xf32>, vector<16xf32>, vector<16xf32>, vector<16xf32>, vector<16xf32>, vector<16xf32>, vector<16xf32>, vector<16xf32>, vector<16xf32>, vector<16xf32>
      }
      %scan3A_84 = arith.constant 32 : i32
      %mul3A_85 = arith.constant 1.562500e-02 : f32
      %mul3A_86 = vector.broadcast %mul3A_85 : f32 to vector<16xf32>
      %mul3A_87 = arith.mulf %scan3A_83#0, %mul3A_86 : vector<16xf32>
      %swap3A = arith.constant 0 : index
      %swap3A_88 = tpu.vector_load %arg8[%swap3A] {strides = array<i32>} : memref<512xf32, #tpu.memory_space<vmem>>, vector<16xf32>,
      tpu.vector_store %arg8[%swap3A], %mul3A_87 {strides = array<i32>} : memref<512xf32, #tpu.memory_space<vmem>>, vector<16xf32>,
      %mul3A_89 = arith.constant 1.562500e-02 : f32
      %mul3A_90 = vector.broadcast %mul3A_89 : f32 to vector<16xf32>
      %mul3A_91 = arith.mulf %scan3A_83#1, %mul3A_90 : vector<16xf32>
      %swap3A_92 = arith.constant 16 : index
      %swap3A_93 = tpu.vector_load %arg8[%swap3A_92] {strides = array<i32>} : memref<512xf32, #tpu.memory_space<vmem>>, vector<16xf32>,
      tpu.vector_store %arg8[%swap3A_92], %mul3A_91 {strides = array<i32>} : memref<512xf32, #tpu.memory_space<vmem>>, vector<16xf32>,
      %mul3A_94 = arith.constant 1.562500e-02 : f32
      %mul3A_95 = vector.broadcast %mul3A_94 : f32 to vector<16xf32>
      %mul3A_96 = arith.mulf %scan3A_83#2, %mul3A_95 : vector<16xf32>
      %swap3A_97 = arith.constant 32 : index
      %swap3A_98 = tpu.vector_load %arg8[%swap3A_97] {strides = array<i32>} : memref<512xf32, #tpu.memory_space<vmem>>, vector<16xf32>,
      tpu.vector_store %arg8[%swap3A_97], %mul3A_96 {strides = array<i32>} : memref<512xf32, #tpu.memory_space<vmem>>, vector<16xf32>,
      %mul3A_99 = arith.constant 1.562500e-02 : f32
      %mul3A_100 = vector.broadcast %mul3A_99 : f32 to vector<16xf32>
      %mul3A_101 = arith.mulf %scan3A_83#3, %mul3A_100 : vector<16xf32>
      %swap3A_102 = arith.constant 48 : index
      %swap3A_103 = tpu.vector_load %arg8[%swap3A_102] {strides = array<i32>} : memref<512xf32, #tpu.memory_space<vmem>>, vector<16xf32>,
      tpu.vector_store %arg8[%swap3A_102], %mul3A_101 {strides = array<i32>} : memref<512xf32, #tpu.memory_space<vmem>>, vector<16xf32>,
      %mul3A_104 = arith.constant 1.562500e-02 : f32
      %mul3A_105 = vector.broadcast %mul3A_104 : f32 to vector<16xf32>
      %mul3A_106 = arith.mulf %scan3A_83#4, %mul3A_105 : vector<16xf32>
      %swap3A_107 = arith.constant 64 : index
      %swap3A_108 = tpu.vector_load %arg8[%swap3A_107] {strides = array<i32>} : memref<512xf32, #tpu.memory_space<vmem>>, vector<16xf32>,
      tpu.vector_store %arg8[%swap3A_107], %mul3A_106 {strides = array<i32>} : memref<512xf32, #tpu.memory_space<vmem>>, vector<16xf32>,
      %mul3A_109 = arith.constant 1.562500e-02 : f32
      %mul3A_110 = vector.broadcast %mul3A_109 : f32 to vector<16xf32>
      %mul3A_111 = arith.mulf %scan3A_83#5, %mul3A_110 : vector<16xf32>
      %swap3A_112 = arith.constant 80 : index
      %swap3A_113 = tpu.vector_load %arg8[%swap3A_112] {strides = array<i32>} : memref<512xf32, #tpu.memory_space<vmem>>, vector<16xf32>,
      tpu.vector_store %arg8[%swap3A_112], %mul3A_111 {strides = array<i32>} : memref<512xf32, #tpu.memory_space<vmem>>, vector<16xf32>,
      %mul3A_114 = arith.constant 1.562500e-02 : f32
      %mul3A_115 = vector.broadcast %mul3A_114 : f32 to vector<16xf32>
      %mul3A_116 = arith.mulf %scan3A_83#6, %mul3A_115 : vector<16xf32>
      %swap3A_117 = arith.constant 96 : index
      %swap3A_118 = tpu.vector_load %arg8[%swap3A_117] {strides = array<i32>} : memref<512xf32, #tpu.memory_space<vmem>>, vector<16xf32>,
      tpu.vector_store %arg8[%swap3A_117], %mul3A_116 {strides = array<i32>} : memref<512xf32, #tpu.memory_space<vmem>>, vector<16xf32>,
      %mul3A_119 = arith.constant 1.562500e-02 : f32
      %mul3A_120 = vector.broadcast %mul3A_119 : f32 to vector<16xf32>
      %mul3A_121 = arith.mulf %scan3A_83#7, %mul3A_120 : vector<16xf32>
      %swap3A_122 = arith.constant 112 : index
      %swap3A_123 = tpu.vector_load %arg8[%swap3A_122] {strides = array<i32>} : memref<512xf32, #tpu.memory_space<vmem>>, vector<16xf32>,
      tpu.vector_store %arg8[%swap3A_122], %mul3A_121 {strides = array<i32>} : memref<512xf32, #tpu.memory_space<vmem>>, vector<16xf32>,
      %mul3A_124 = arith.constant 1.562500e-02 : f32
      %mul3A_125 = vector.broadcast %mul3A_124 : f32 to vector<16xf32>
      %mul3A_126 = arith.mulf %scan3A_83#8, %mul3A_125 : vector<16xf32>
      %swap3A_127 = arith.constant 128 : index
      %swap3A_128 = tpu.vector_load %arg8[%swap3A_127] {strides = array<i32>} : memref<512xf32, #tpu.memory_space<vmem>>, vector<16xf32>,
      tpu.vector_store %arg8[%swap3A_127], %mul3A_126 {strides = array<i32>} : memref<512xf32, #tpu.memory_space<vmem>>, vector<16xf32>,
      %mul3A_129 = arith.constant 1.562500e-02 : f32
      %mul3A_130 = vector.broadcast %mul3A_129 : f32 to vector<16xf32>
      %mul3A_131 = arith.mulf %scan3A_83#9, %mul3A_130 : vector<16xf32>
      %swap3A_132 = arith.constant 144 : index
      %swap3A_133 = tpu.vector_load %arg8[%swap3A_132] {strides = array<i32>} : memref<512xf32, #tpu.memory_space<vmem>>, vector<16xf32>,
      tpu.vector_store %arg8[%swap3A_132], %mul3A_131 {strides = array<i32>} : memref<512xf32, #tpu.memory_space<vmem>>, vector<16xf32>,
      %mul3A_134 = arith.constant 1.562500e-02 : f32
      %mul3A_135 = vector.broadcast %mul3A_134 : f32 to vector<16xf32>
      %mul3A_136 = arith.mulf %scan3A_83#10, %mul3A_135 : vector<16xf32>
      %swap3A_137 = arith.constant 160 : index
      %swap3A_138 = tpu.vector_load %arg8[%swap3A_137] {strides = array<i32>} : memref<512xf32, #tpu.memory_space<vmem>>, vector<16xf32>,
      tpu.vector_store %arg8[%swap3A_137], %mul3A_136 {strides = array<i32>} : memref<512xf32, #tpu.memory_space<vmem>>, vector<16xf32>,
      %mul3A_139 = arith.constant 1.562500e-02 : f32
      %mul3A_140 = vector.broadcast %mul3A_139 : f32 to vector<16xf32>
      %mul3A_141 = arith.mulf %scan3A_83#11, %mul3A_140 : vector<16xf32>
      %swap3A_142 = arith.constant 176 : index
      %swap3A_143 = tpu.vector_load %arg8[%swap3A_142] {strides = array<i32>} : memref<512xf32, #tpu.memory_space<vmem>>, vector<16xf32>,
      tpu.vector_store %arg8[%swap3A_142], %mul3A_141 {strides = array<i32>} : memref<512xf32, #tpu.memory_space<vmem>>, vector<16xf32>,
      %mul3A_144 = arith.constant 1.562500e-02 : f32
      %mul3A_145 = vector.broadcast %mul3A_144 : f32 to vector<16xf32>
      %mul3A_146 = arith.mulf %scan3A_83#12, %mul3A_145 : vector<16xf32>
      %swap3A_147 = arith.constant 192 : index
      %swap3A_148 = tpu.vector_load %arg8[%swap3A_147] {strides = array<i32>} : memref<512xf32, #tpu.memory_space<vmem>>, vector<16xf32>,
      tpu.vector_store %arg8[%swap3A_147], %mul3A_146 {strides = array<i32>} : memref<512xf32, #tpu.memory_space<vmem>>, vector<16xf32>,
      %mul3A_149 = arith.constant 1.562500e-02 : f32
      %mul3A_150 = vector.broadcast %mul3A_149 : f32 to vector<16xf32>
      %mul3A_151 = arith.mulf %scan3A_83#13, %mul3A_150 : vector<16xf32>
      %swap3A_152 = arith.constant 208 : index
      %swap3A_153 = tpu.vector_load %arg8[%swap3A_152] {strides = array<i32>} : memref<512xf32, #tpu.memory_space<vmem>>, vector<16xf32>,
      tpu.vector_store %arg8[%swap3A_152], %mul3A_151 {strides = array<i32>} : memref<512xf32, #tpu.memory_space<vmem>>, vector<16xf32>,
      %mul3A_154 = arith.constant 1.562500e-02 : f32
      %mul3A_155 = vector.broadcast %mul3A_154 : f32 to vector<16xf32>
      %mul3A_156 = arith.mulf %scan3A_83#14, %mul3A_155 : vector<16xf32>
      %swap3A_157 = arith.constant 224 : index
      %swap3A_158 = tpu.vector_load %arg8[%swap3A_157] {strides = array<i32>} : memref<512xf32, #tpu.memory_space<vmem>>, vector<16xf32>,
      tpu.vector_store %arg8[%swap3A_157], %mul3A_156 {strides = array<i32>} : memref<512xf32, #tpu.memory_space<vmem>>, vector<16xf32>,
      %mul3A_159 = arith.constant 1.562500e-02 : f32
      %mul3A_160 = vector.broadcast %mul3A_159 : f32 to vector<16xf32>
      %mul3A_161 = arith.mulf %scan3A_83#15, %mul3A_160 : vector<16xf32>
      %swap3A_162 = arith.constant 240 : index
      %swap3A_163 = tpu.vector_load %arg8[%swap3A_162] {strides = array<i32>} : memref<512xf32, #tpu.memory_space<vmem>>, vector<16xf32>,
      tpu.vector_store %arg8[%swap3A_162], %mul3A_161 {strides = array<i32>} : memref<512xf32, #tpu.memory_space<vmem>>, vector<16xf32>,
      %mul3A_164 = arith.constant 1.562500e-02 : f32
      %mul3A_165 = vector.broadcast %mul3A_164 : f32 to vector<16xf32>
      %mul3A_166 = arith.mulf %scan3A_83#16, %mul3A_165 : vector<16xf32>
      %swap3A_167 = arith.constant 256 : index
      %swap3A_168 = tpu.vector_load %arg8[%swap3A_167] {strides = array<i32>} : memref<512xf32, #tpu.memory_space<vmem>>, vector<16xf32>,
      tpu.vector_store %arg8[%swap3A_167], %mul3A_166 {strides = array<i32>} : memref<512xf32, #tpu.memory_space<vmem>>, vector<16xf32>,
      %mul3A_169 = arith.constant 1.562500e-02 : f32
      %mul3A_170 = vector.broadcast %mul3A_169 : f32 to vector<16xf32>
      %mul3A_171 = arith.mulf %scan3A_83#17, %mul3A_170 : vector<16xf32>
      %swap3A_172 = arith.constant 272 : index
      %swap3A_173 = tpu.vector_load %arg8[%swap3A_172] {strides = array<i32>} : memref<512xf32, #tpu.memory_space<vmem>>, vector<16xf32>,
      tpu.vector_store %arg8[%swap3A_172], %mul3A_171 {strides = array<i32>} : memref<512xf32, #tpu.memory_space<vmem>>, vector<16xf32>,
      %mul3A_174 = arith.constant 1.562500e-02 : f32
      %mul3A_175 = vector.broadcast %mul3A_174 : f32 to vector<16xf32>
      %mul3A_176 = arith.mulf %scan3A_83#18, %mul3A_175 : vector<16xf32>
      %swap3A_177 = arith.constant 288 : index
      %swap3A_178 = tpu.vector_load %arg8[%swap3A_177] {strides = array<i32>} : memref<512xf32, #tpu.memory_space<vmem>>, vector<16xf32>,
      tpu.vector_store %arg8[%swap3A_177], %mul3A_176 {strides = array<i32>} : memref<512xf32, #tpu.memory_space<vmem>>, vector<16xf32>,
      %mul3A_179 = arith.constant 1.562500e-02 : f32
      %mul3A_180 = vector.broadcast %mul3A_179 : f32 to vector<16xf32>
      %mul3A_181 = arith.mulf %scan3A_83#19, %mul3A_180 : vector<16xf32>
      %swap3A_182 = arith.constant 304 : index
      %swap3A_183 = tpu.vector_load %arg8[%swap3A_182] {strides = array<i32>} : memref<512xf32, #tpu.memory_space<vmem>>, vector<16xf32>,
      tpu.vector_store %arg8[%swap3A_182], %mul3A_181 {strides = array<i32>} : memref<512xf32, #tpu.memory_space<vmem>>, vector<16xf32>,
      %mul3A_184 = arith.constant 1.562500e-02 : f32
      %mul3A_185 = vector.broadcast %mul3A_184 : f32 to vector<16xf32>
      %mul3A_186 = arith.mulf %scan3A_83#20, %mul3A_185 : vector<16xf32>
      %swap3A_187 = arith.constant 320 : index
      %swap3A_188 = tpu.vector_load %arg8[%swap3A_187] {strides = array<i32>} : memref<512xf32, #tpu.memory_space<vmem>>, vector<16xf32>,
      tpu.vector_store %arg8[%swap3A_187], %mul3A_186 {strides = array<i32>} : memref<512xf32, #tpu.memory_space<vmem>>, vector<16xf32>,
      %mul3A_189 = arith.constant 1.562500e-02 : f32
      %mul3A_190 = vector.broadcast %mul3A_189 : f32 to vector<16xf32>
      %mul3A_191 = arith.mulf %scan3A_83#21, %mul3A_190 : vector<16xf32>
      %swap3A_192 = arith.constant 336 : index
      %swap3A_193 = tpu.vector_load %arg8[%swap3A_192] {strides = array<i32>} : memref<512xf32, #tpu.memory_space<vmem>>, vector<16xf32>,
      tpu.vector_store %arg8[%swap3A_192], %mul3A_191 {strides = array<i32>} : memref<512xf32, #tpu.memory_space<vmem>>, vector<16xf32>,
      %mul3A_194 = arith.constant 1.562500e-02 : f32
      %mul3A_195 = vector.broadcast %mul3A_194 : f32 to vector<16xf32>
      %mul3A_196 = arith.mulf %scan3A_83#22, %mul3A_195 : vector<16xf32>
      %swap3A_197 = arith.constant 352 : index
      %swap3A_198 = tpu.vector_load %arg8[%swap3A_197] {strides = array<i32>} : memref<512xf32, #tpu.memory_space<vmem>>, vector<16xf32>,
      tpu.vector_store %arg8[%swap3A_197], %mul3A_196 {strides = array<i32>} : memref<512xf32, #tpu.memory_space<vmem>>, vector<16xf32>,
      %mul3A_199 = arith.constant 1.562500e-02 : f32
      %mul3A_200 = vector.broadcast %mul3A_199 : f32 to vector<16xf32>
      %mul3A_201 = arith.mulf %scan3A_83#23, %mul3A_200 : vector<16xf32>
      %swap3A_202 = arith.constant 368 : index
      %swap3A_203 = tpu.vector_load %arg8[%swap3A_202] {strides = array<i32>} : memref<512xf32, #tpu.memory_space<vmem>>, vector<16xf32>,
      tpu.vector_store %arg8[%swap3A_202], %mul3A_201 {strides = array<i32>} : memref<512xf32, #tpu.memory_space<vmem>>, vector<16xf32>,
      %mul3A_204 = arith.constant 1.562500e-02 : f32
      %mul3A_205 = vector.broadcast %mul3A_204 : f32 to vector<16xf32>
      %mul3A_206 = arith.mulf %scan3A_83#24, %mul3A_205 : vector<16xf32>
      %swap3A_207 = arith.constant 384 : index
      %swap3A_208 = tpu.vector_load %arg8[%swap3A_207] {strides = array<i32>} : memref<512xf32, #tpu.memory_space<vmem>>, vector<16xf32>,
      tpu.vector_store %arg8[%swap3A_207], %mul3A_206 {strides = array<i32>} : memref<512xf32, #tpu.memory_space<vmem>>, vector<16xf32>,
      %mul3A_209 = arith.constant 1.562500e-02 : f32
      %mul3A_210 = vector.broadcast %mul3A_209 : f32 to vector<16xf32>
      %mul3A_211 = arith.mulf %scan3A_83#25, %mul3A_210 : vector<16xf32>
      %swap3A_212 = arith.constant 400 : index
      %swap3A_213 = tpu.vector_load %arg8[%swap3A_212] {strides = array<i32>} : memref<512xf32, #tpu.memory_space<vmem>>, vector<16xf32>,
      tpu.vector_store %arg8[%swap3A_212], %mul3A_211 {strides = array<i32>} : memref<512xf32, #tpu.memory_space<vmem>>, vector<16xf32>,
      %mul3A_214 = arith.constant 1.562500e-02 : f32
      %mul3A_215 = vector.broadcast %mul3A_214 : f32 to vector<16xf32>
      %mul3A_216 = arith.mulf %scan3A_83#26, %mul3A_215 : vector<16xf32>
      %swap3A_217 = arith.constant 416 : index
      %swap3A_218 = tpu.vector_load %arg8[%swap3A_217] {strides = array<i32>} : memref<512xf32, #tpu.memory_space<vmem>>, vector<16xf32>,
      tpu.vector_store %arg8[%swap3A_217], %mul3A_216 {strides = array<i32>} : memref<512xf32, #tpu.memory_space<vmem>>, vector<16xf32>,
      %mul3A_219 = arith.constant 1.562500e-02 : f32
      %mul3A_220 = vector.broadcast %mul3A_219 : f32 to vector<16xf32>
      %mul3A_221 = arith.mulf %scan3A_83#27, %mul3A_220 : vector<16xf32>
      %swap3A_222 = arith.constant 432 : index
      %swap3A_223 = tpu.vector_load %arg8[%swap3A_222] {strides = array<i32>} : memref<512xf32, #tpu.memory_space<vmem>>, vector<16xf32>,
      tpu.vector_store %arg8[%swap3A_222], %mul3A_221 {strides = array<i32>} : memref<512xf32, #tpu.memory_space<vmem>>, vector<16xf32>,
      %mul3A_224 = arith.constant 1.562500e-02 : f32
      %mul3A_225 = vector.broadcast %mul3A_224 : f32 to vector<16xf32>
      %mul3A_226 = arith.mulf %scan3A_83#28, %mul3A_225 : vector<16xf32>
      %swap3A_227 = arith.constant 448 : index
      %swap3A_228 = tpu.vector_load %arg8[%swap3A_227] {strides = array<i32>} : memref<512xf32, #tpu.memory_space<vmem>>, vector<16xf32>,
      tpu.vector_store %arg8[%swap3A_227], %mul3A_226 {strides = array<i32>} : memref<512xf32, #tpu.memory_space<vmem>>, vector<16xf32>,
      %mul3A_229 = arith.constant 1.562500e-02 : f32
      %mul3A_230 = vector.broadcast %mul3A_229 : f32 to vector<16xf32>
      %mul3A_231 = arith.mulf %scan3A_83#29, %mul3A_230 : vector<16xf32>
      %swap3A_232 = arith.constant 464 : index
      %swap3A_233 = tpu.vector_load %arg8[%swap3A_232] {strides = array<i32>} : memref<512xf32, #tpu.memory_space<vmem>>, vector<16xf32>,
      tpu.vector_store %arg8[%swap3A_232], %mul3A_231 {strides = array<i32>} : memref<512xf32, #tpu.memory_space<vmem>>, vector<16xf32>,
      %mul3A_234 = arith.constant 1.562500e-02 : f32
      %mul3A_235 = vector.broadcast %mul3A_234 : f32 to vector<16xf32>
      %mul3A_236 = arith.mulf %scan3A_83#30, %mul3A_235 : vector<16xf32>
      %swap3A_237 = arith.constant 480 : index
      %swap3A_238 = tpu.vector_load %arg8[%swap3A_237] {strides = array<i32>} : memref<512xf32, #tpu.memory_space<vmem>>, vector<16xf32>,
      tpu.vector_store %arg8[%swap3A_237], %mul3A_236 {strides = array<i32>} : memref<512xf32, #tpu.memory_space<vmem>>, vector<16xf32>,
      %mul3A_239 = arith.constant 1.562500e-02 : f32
      %mul3A_240 = vector.broadcast %mul3A_239 : f32 to vector<16xf32>
      %mul3A_241 = arith.mulf %scan3A_83#31, %mul3A_240 : vector<16xf32>
      %swap3A_242 = arith.constant 496 : index
      %swap3A_243 = tpu.vector_load %arg8[%swap3A_242] {strides = array<i32>} : memref<512xf32, #tpu.memory_space<vmem>>, vector<16xf32>,
      tpu.vector_store %arg8[%swap3A_242], %mul3A_241 {strides = array<i32>} : memref<512xf32, #tpu.memory_space<vmem>>, vector<16xf32>,
      %mul3A_244 = arith.constant 512 : i32
      %mul3A_245 = arith.muli %add3A, %mul3A_244 : i32
      "tpu.region"() ({
        %run_scoped3A = tpu.sem_alloc : memref<!tpu.dma_semaphore, #tpu.memory_space<semaphore_mem>>
        %dma_start3A_246 = tpu.memref_slice %arg4[%mul3A_245] : memref<8192xf32, #tpu.memory_space<hbm>> -> memref<512xf32, #tpu.memory_space<hbm>>
        %dma_start3A_247 = tpu.memref_slice %arg4[%mul3A_245] : memref<8192xf32, #tpu.memory_space<hbm>> -> memref<512xf32, #tpu.memory_space<hbm>>
        tpu.enqueue_dma source(%arg8 : memref<512xf32, #tpu.memory_space<vmem>>) target(%dma_start3A_247 : memref<512xf32, #tpu.memory_space<hbm>>) target_semaphore(%run_scoped3A : memref<!tpu.dma_semaphore, #tpu.memory_space<semaphore_mem>>)
        %dma_wait3A_248 = tpu.memref_slice %arg4[%mul3A_245] : memref<8192xf32, #tpu.memory_space<hbm>> -> memref<512xf32, #tpu.memory_space<hbm>>
        %dma_wait3A_249 = tpu.memref_slice %arg4[%mul3A_245] : memref<8192xf32, #tpu.memory_space<hbm>> -> memref<512xf32, #tpu.memory_space<hbm>>
        tpu.wait_dma2 semaphore(%run_scoped3A : memref<!tpu.dma_semaphore, #tpu.memory_space<semaphore_mem>>) src(%arg8 : memref<512xf32, #tpu.memory_space<vmem>>) dst(%dma_wait3A_249 : memref<512xf32, #tpu.memory_space<hbm>>)
        tpu.yield
      }) : () -> ()
    } else {
    }
    return
  }
}

module attributes {stable_mosaic.version = 14 : i64} {
  func.func @_select_body(%arg0: memref<16x4096xf32, #tpu.memory_space<vmem>>, %arg1: memref<16x4096xi32, #tpu.memory_space<vmem>>) attributes {dimension_semantics = [], scalar_prefetch = 0 : i64, scratch_operands = 0 : i64, tpu.core_type = #tpu.core_type<tc>} {
    %get3A = arith.constant 0 : index
    %get3A_0 = arith.constant 0 : index
    %get3A_1 = vector.load %arg0[%get3A, %get3A_0] : memref<16x4096xf32, #tpu.memory_space<vmem>>, vector<16x4096xf32>
    %bitcast_convert_type3A = tpu.bitcast %get3A_1 : vector<16x4096xf32> -> vector<16x4096xi32>
    %broadcast_in_dim3A = arith.constant 64 : i32
    %broadcast_in_dim3A_2 = vector.broadcast %broadcast_in_dim3A : i32 to vector<16x1xi32>
    %broadcast_in_dim3A_3 = arith.constant 0 : i32
    %broadcast_in_dim3A_4 = vector.broadcast %broadcast_in_dim3A_3 : i32 to vector<16x1xi32>
    %broadcast_in_dim3A_5 = arith.constant 2139095040 : i32
    %broadcast_in_dim3A_6 = vector.broadcast %broadcast_in_dim3A_5 : i32 to vector<16x1xi32>
    %scan3A = arith.constant 0 : i32
    %scan3A_7 = arith.constant 18 : i32
    %scan3A_8 = arith.addi %scan3A, %scan3A_7 : i32
    %scan3A_9 = arith.constant 1 : i32
    %scan3A_10:2 = scf.for %scan3A_155 = %scan3A to %scan3A_8 step %scan3A_9 iter_args(%scan3A_156 = %broadcast_in_dim3A_4, %scan3A_157 = %broadcast_in_dim3A_6) -> (vector<16x1xi32>, vector<16x1xi32>)  : i32 {
      %sub3A_158 = arith.subi %scan3A_157, %scan3A_156 : vector<16x1xi32>
      %shift_right_arithmetic3A = arith.constant 2 : i32
      %shift_right_arithmetic3A_159 = vector.broadcast %shift_right_arithmetic3A : i32 to vector<16x1xi32>
      %shift_right_arithmetic3A_160 = arith.shrsi %sub3A_158, %shift_right_arithmetic3A_159 : vector<16x1xi32>
      %max3A = arith.constant 1 : i32
      %max3A_161 = vector.broadcast %max3A : i32 to vector<16x1xi32>
      %max3A_162 = arith.maxsi %shift_right_arithmetic3A_160, %max3A_161 : vector<16x1xi32>
      %add3A_163 = arith.addi %scan3A_156, %max3A_162 : vector<16x1xi32>
      %mul3A = arith.constant 2 : i32
      %mul3A_164 = vector.broadcast %mul3A : i32 to vector<16x1xi32>
      %mul3A_165 = arith.muli %mul3A_164, %max3A_162 : vector<16x1xi32>
      %add3A_166 = arith.addi %scan3A_156, %mul3A_165 : vector<16x1xi32>
      %mul3A_167 = arith.constant 3 : i32
      %mul3A_168 = vector.broadcast %mul3A_167 : i32 to vector<16x1xi32>
      %mul3A_169 = arith.muli %mul3A_168, %max3A_162 : vector<16x1xi32>
      %add3A_170 = arith.addi %scan3A_156, %mul3A_169 : vector<16x1xi32>
      %ge3A = vector.broadcast %add3A_163 : vector<16x1xi32> to vector<16x4096xi32>
      %ge3A_171 = arith.cmpi sge, %bitcast_convert_type3A, %ge3A : vector<16x4096xi32>
      %jit3A_172 = arith.constant 1 : i32
      %jit3A_173 = arith.constant 0 : i32
      %broadcast_in_dim3A_174 = vector.broadcast %jit3A_172 : i32 to vector<16x4096xi32>
      %broadcast_in_dim3A_175 = vector.broadcast %jit3A_173 : i32 to vector<16x4096xi32>
      %select_n3A_176 = arith.select %ge3A_171, %broadcast_in_dim3A_174, %broadcast_in_dim3A_175 : vector<16x4096xi1>, vector<16x4096xi32>
      %reduce_sum3A_177 = arith.constant dense<0> : vector<16xi32>
      %reduce_sum3A_178 = vector.multi_reduction <add>, %select_n3A_176, %reduce_sum3A_177 [1] : vector<16x4096xi32> to vector<16xi32>
      %broadcast_in_dim3A_179 = vector.shape_cast %reduce_sum3A_178 : vector<16xi32> to vector<16x1xi32>
      %ge3A_180 = vector.broadcast %add3A_166 : vector<16x1xi32> to vector<16x4096xi32>
      %ge3A_181 = arith.cmpi sge, %bitcast_convert_type3A, %ge3A_180 : vector<16x4096xi32>
      %jit3A_182 = arith.constant 1 : i32
      %jit3A_183 = arith.constant 0 : i32
      %broadcast_in_dim3A_184 = vector.broadcast %jit3A_182 : i32 to vector<16x4096xi32>
      %broadcast_in_dim3A_185 = vector.broadcast %jit3A_183 : i32 to vector<16x4096xi32>
      %select_n3A_186 = arith.select %ge3A_181, %broadcast_in_dim3A_184, %broadcast_in_dim3A_185 : vector<16x4096xi1>, vector<16x4096xi32>
      %reduce_sum3A_187 = arith.constant dense<0> : vector<16xi32>
      %reduce_sum3A_188 = vector.multi_reduction <add>, %select_n3A_186, %reduce_sum3A_187 [1] : vector<16x4096xi32> to vector<16xi32>
      %broadcast_in_dim3A_189 = vector.shape_cast %reduce_sum3A_188 : vector<16xi32> to vector<16x1xi32>
      %ge3A_190 = vector.broadcast %add3A_170 : vector<16x1xi32> to vector<16x4096xi32>
      %ge3A_191 = arith.cmpi sge, %bitcast_convert_type3A, %ge3A_190 : vector<16x4096xi32>
      %jit3A_192 = arith.constant 1 : i32
      %jit3A_193 = arith.constant 0 : i32
      %broadcast_in_dim3A_194 = vector.broadcast %jit3A_192 : i32 to vector<16x4096xi32>
      %broadcast_in_dim3A_195 = vector.broadcast %jit3A_193 : i32 to vector<16x4096xi32>
      %select_n3A_196 = arith.select %ge3A_191, %broadcast_in_dim3A_194, %broadcast_in_dim3A_195 : vector<16x4096xi1>, vector<16x4096xi32>
      %reduce_sum3A_197 = arith.constant dense<0> : vector<16xi32>
      %reduce_sum3A_198 = vector.multi_reduction <add>, %select_n3A_196, %reduce_sum3A_197 [1] : vector<16x4096xi32> to vector<16xi32>
      %broadcast_in_dim3A_199 = vector.shape_cast %reduce_sum3A_198 : vector<16xi32> to vector<16x1xi32>
      %ge3A_200 = arith.cmpi sge, %broadcast_in_dim3A_179, %broadcast_in_dim3A_2 : vector<16x1xi32>
      %ge3A_201 = arith.cmpi sge, %broadcast_in_dim3A_189, %broadcast_in_dim3A_2 : vector<16x1xi32>
      %ge3A_202 = arith.cmpi sge, %broadcast_in_dim3A_199, %broadcast_in_dim3A_2 : vector<16x1xi32>
      %select_n3A_203 = arith.select %ge3A_200, %add3A_163, %scan3A_156 : vector<16x1xi1>, vector<16x1xi32>
      %select_n3A_204 = arith.select %ge3A_201, %add3A_166, %select_n3A_203 : vector<16x1xi1>, vector<16x1xi32>
      %select_n3A_205 = arith.select %ge3A_202, %add3A_170, %select_n3A_204 : vector<16x1xi1>, vector<16x1xi32>
      %select_n3A_206 = arith.select %ge3A_200, %add3A_166, %add3A_163 : vector<16x1xi1>, vector<16x1xi32>
      %select_n3A_207 = arith.select %ge3A_201, %add3A_170, %select_n3A_206 : vector<16x1xi1>, vector<16x1xi32>
      %select_n3A_208 = arith.select %ge3A_202, %scan3A_157, %select_n3A_207 : vector<16x1xi1>, vector<16x1xi32>
      scf.yield %select_n3A_205, %select_n3A_208 : vector<16x1xi32>, vector<16x1xi32>
    }
    %gt3A = vector.broadcast %scan3A_10#0 : vector<16x1xi32> to vector<16x4096xi32>
    %gt3A_11 = arith.cmpi sgt, %bitcast_convert_type3A, %gt3A : vector<16x4096xi32>
    %eq3A = vector.broadcast %scan3A_10#0 : vector<16x1xi32> to vector<16x4096xi32>
    %eq3A_12 = arith.cmpi eq, %bitcast_convert_type3A, %eq3A : vector<16x4096xi32>
    %jit3A = arith.constant 1 : i32
    %jit3A_13 = arith.constant 0 : i32
    %broadcast_in_dim3A_14 = vector.broadcast %jit3A : i32 to vector<16x4096xi32>
    %broadcast_in_dim3A_15 = vector.broadcast %jit3A_13 : i32 to vector<16x4096xi32>
    %select_n3A = arith.select %gt3A_11, %broadcast_in_dim3A_14, %broadcast_in_dim3A_15 : vector<16x4096xi1>, vector<16x4096xi32>
    %reduce_sum3A = arith.constant dense<0> : vector<16xi32>
    %reduce_sum3A_16 = vector.multi_reduction <add>, %select_n3A, %reduce_sum3A [1] : vector<16x4096xi32> to vector<16xi32>
    %broadcast_in_dim3A_17 = vector.shape_cast %reduce_sum3A_16 : vector<16xi32> to vector<16x1xi32>
    %sub3A = arith.subi %broadcast_in_dim3A_2, %broadcast_in_dim3A_17 : vector<16x1xi32>
    %convert_element_type3A = arith.sitofp %sub3A : vector<16x1xi32> to vector<16x1xf32>
    %jit3A_18 = arith.constant 1.000000e+00 : f32
    %jit3A_19 = arith.constant 0.000000e+00 : f32
    %broadcast_in_dim3A_20 = vector.broadcast %jit3A_18 : f32 to vector<16x4096xf32>
    %broadcast_in_dim3A_21 = vector.broadcast %jit3A_19 : f32 to vector<16x4096xf32>
    %select_n3A_22 = arith.select %eq3A_12, %broadcast_in_dim3A_20, %broadcast_in_dim3A_21 : vector<16x4096xi1>, vector<16x4096xf32>
    %broadcast_in_dim3A_23 = arith.constant 0.000000e+00 : f32
    %broadcast_in_dim3A_24 = vector.broadcast %broadcast_in_dim3A_23 : f32 to vector<16x1xf32>
    %slice3A = vector.extract_strided_slice %select_n3A_22 {offsets = [0, 0], sizes = [16, 4095], strides = [1, 1]} : vector<16x4096xf32> to vector<16x4095xf32>
    %concatenate3A = tpu.concatenate %broadcast_in_dim3A_24, %slice3A in 1 : vector<16x1xf32>, vector<16x4095xf32> -> vector<16x4096xf32>
    %add3A = arith.addf %select_n3A_22, %concatenate3A : vector<16x4096xf32>
    %broadcast_in_dim3A_25 = arith.constant 0.000000e+00 : f32
    %broadcast_in_dim3A_26 = vector.broadcast %broadcast_in_dim3A_25 : f32 to vector<16x2xf32>
    %slice3A_27 = vector.extract_strided_slice %add3A {offsets = [0, 0], sizes = [16, 4094], strides = [1, 1]} : vector<16x4096xf32> to vector<16x4094xf32>
    %concatenate3A_28 = tpu.concatenate %broadcast_in_dim3A_26, %slice3A_27 in 1 : vector<16x2xf32>, vector<16x4094xf32> -> vector<16x4096xf32>
    %add3A_29 = arith.addf %add3A, %concatenate3A_28 : vector<16x4096xf32>
    %broadcast_in_dim3A_30 = arith.constant 0.000000e+00 : f32
    %broadcast_in_dim3A_31 = vector.broadcast %broadcast_in_dim3A_30 : f32 to vector<16x4xf32>
    %slice3A_32 = vector.extract_strided_slice %add3A_29 {offsets = [0, 0], sizes = [16, 4092], strides = [1, 1]} : vector<16x4096xf32> to vector<16x4092xf32>
    %concatenate3A_33 = tpu.concatenate %broadcast_in_dim3A_31, %slice3A_32 in 1 : vector<16x4xf32>, vector<16x4092xf32> -> vector<16x4096xf32>
    %add3A_34 = arith.addf %add3A_29, %concatenate3A_33 : vector<16x4096xf32>
    %broadcast_in_dim3A_35 = arith.constant 0.000000e+00 : f32
    %broadcast_in_dim3A_36 = vector.broadcast %broadcast_in_dim3A_35 : f32 to vector<16x8xf32>
    %slice3A_37 = vector.extract_strided_slice %add3A_34 {offsets = [0, 0], sizes = [16, 4088], strides = [1, 1]} : vector<16x4096xf32> to vector<16x4088xf32>
    %concatenate3A_38 = tpu.concatenate %broadcast_in_dim3A_36, %slice3A_37 in 1 : vector<16x8xf32>, vector<16x4088xf32> -> vector<16x4096xf32>
    %add3A_39 = arith.addf %add3A_34, %concatenate3A_38 : vector<16x4096xf32>
    %broadcast_in_dim3A_40 = arith.constant 0.000000e+00 : f32
    %broadcast_in_dim3A_41 = vector.broadcast %broadcast_in_dim3A_40 : f32 to vector<16x16xf32>
    %slice3A_42 = vector.extract_strided_slice %add3A_39 {offsets = [0, 0], sizes = [16, 4080], strides = [1, 1]} : vector<16x4096xf32> to vector<16x4080xf32>
    %concatenate3A_43 = tpu.concatenate %broadcast_in_dim3A_41, %slice3A_42 in 1 : vector<16x16xf32>, vector<16x4080xf32> -> vector<16x4096xf32>
    %add3A_44 = arith.addf %add3A_39, %concatenate3A_43 : vector<16x4096xf32>
    %broadcast_in_dim3A_45 = arith.constant 0.000000e+00 : f32
    %broadcast_in_dim3A_46 = vector.broadcast %broadcast_in_dim3A_45 : f32 to vector<16x32xf32>
    %slice3A_47 = vector.extract_strided_slice %add3A_44 {offsets = [0, 0], sizes = [16, 4064], strides = [1, 1]} : vector<16x4096xf32> to vector<16x4064xf32>
    %concatenate3A_48 = tpu.concatenate %broadcast_in_dim3A_46, %slice3A_47 in 1 : vector<16x32xf32>, vector<16x4064xf32> -> vector<16x4096xf32>
    %add3A_49 = arith.addf %add3A_44, %concatenate3A_48 : vector<16x4096xf32>
    %broadcast_in_dim3A_50 = arith.constant 0.000000e+00 : f32
    %broadcast_in_dim3A_51 = vector.broadcast %broadcast_in_dim3A_50 : f32 to vector<16x64xf32>
    %slice3A_52 = vector.extract_strided_slice %add3A_49 {offsets = [0, 0], sizes = [16, 4032], strides = [1, 1]} : vector<16x4096xf32> to vector<16x4032xf32>
    %concatenate3A_53 = tpu.concatenate %broadcast_in_dim3A_51, %slice3A_52 in 1 : vector<16x64xf32>, vector<16x4032xf32> -> vector<16x4096xf32>
    %add3A_54 = arith.addf %add3A_49, %concatenate3A_53 : vector<16x4096xf32>
    %broadcast_in_dim3A_55 = arith.constant 0.000000e+00 : f32
    %broadcast_in_dim3A_56 = vector.broadcast %broadcast_in_dim3A_55 : f32 to vector<16x128xf32>
    %slice3A_57 = vector.extract_strided_slice %add3A_54 {offsets = [0, 0], sizes = [16, 3968], strides = [1, 1]} : vector<16x4096xf32> to vector<16x3968xf32>
    %concatenate3A_58 = tpu.concatenate %broadcast_in_dim3A_56, %slice3A_57 in 1 : vector<16x128xf32>, vector<16x3968xf32> -> vector<16x4096xf32>
    %add3A_59 = arith.addf %add3A_54, %concatenate3A_58 : vector<16x4096xf32>
    %broadcast_in_dim3A_60 = arith.constant 0.000000e+00 : f32
    %broadcast_in_dim3A_61 = vector.broadcast %broadcast_in_dim3A_60 : f32 to vector<16x256xf32>
    %slice3A_62 = vector.extract_strided_slice %add3A_59 {offsets = [0, 0], sizes = [16, 3840], strides = [1, 1]} : vector<16x4096xf32> to vector<16x3840xf32>
    %concatenate3A_63 = tpu.concatenate %broadcast_in_dim3A_61, %slice3A_62 in 1 : vector<16x256xf32>, vector<16x3840xf32> -> vector<16x4096xf32>
    %add3A_64 = arith.addf %add3A_59, %concatenate3A_63 : vector<16x4096xf32>
    %broadcast_in_dim3A_65 = arith.constant 0.000000e+00 : f32
    %broadcast_in_dim3A_66 = vector.broadcast %broadcast_in_dim3A_65 : f32 to vector<16x512xf32>
    %slice3A_67 = vector.extract_strided_slice %add3A_64 {offsets = [0, 0], sizes = [16, 3584], strides = [1, 1]} : vector<16x4096xf32> to vector<16x3584xf32>
    %concatenate3A_68 = tpu.concatenate %broadcast_in_dim3A_66, %slice3A_67 in 1 : vector<16x512xf32>, vector<16x3584xf32> -> vector<16x4096xf32>
    %add3A_69 = arith.addf %add3A_64, %concatenate3A_68 : vector<16x4096xf32>
    %broadcast_in_dim3A_70 = arith.constant 0.000000e+00 : f32
    %broadcast_in_dim3A_71 = vector.broadcast %broadcast_in_dim3A_70 : f32 to vector<16x1024xf32>
    %slice3A_72 = vector.extract_strided_slice %add3A_69 {offsets = [0, 0], sizes = [16, 3072], strides = [1, 1]} : vector<16x4096xf32> to vector<16x3072xf32>
    %concatenate3A_73 = tpu.concatenate %broadcast_in_dim3A_71, %slice3A_72 in 1 : vector<16x1024xf32>, vector<16x3072xf32> -> vector<16x4096xf32>
    %add3A_74 = arith.addf %add3A_69, %concatenate3A_73 : vector<16x4096xf32>
    %broadcast_in_dim3A_75 = arith.constant 0.000000e+00 : f32
    %broadcast_in_dim3A_76 = vector.broadcast %broadcast_in_dim3A_75 : f32 to vector<16x2048xf32>
    %slice3A_77 = vector.extract_strided_slice %add3A_74 {offsets = [0, 0], sizes = [16, 2048], strides = [1, 1]} : vector<16x4096xf32> to vector<16x2048xf32>
    %concatenate3A_78 = tpu.concatenate %broadcast_in_dim3A_76, %slice3A_77 in 1 : vector<16x2048xf32>, vector<16x2048xf32> -> vector<16x4096xf32>
    %add3A_79 = arith.addf %add3A_74, %concatenate3A_78 : vector<16x4096xf32>
    %le3A = vector.broadcast %convert_element_type3A : vector<16x1xf32> to vector<16x4096xf32>
    %le3A_80 = arith.cmpf ole, %add3A_79, %le3A : vector<16x4096xf32>
    %and3A = arith.andi %eq3A_12, %le3A_80 : vector<16x4096xi1>
    %or3A = arith.ori %gt3A_11, %and3A : vector<16x4096xi1>
    %jit3A_81 = arith.constant 1.000000e+00 : f32
    %jit3A_82 = arith.constant 0.000000e+00 : f32
    %broadcast_in_dim3A_83 = vector.broadcast %jit3A_81 : f32 to vector<16x4096xf32>
    %broadcast_in_dim3A_84 = vector.broadcast %jit3A_82 : f32 to vector<16x4096xf32>
    %select_n3A_85 = arith.select %or3A, %broadcast_in_dim3A_83, %broadcast_in_dim3A_84 : vector<16x4096xi1>, vector<16x4096xf32>
    %broadcast_in_dim3A_86 = arith.constant 0.000000e+00 : f32
    %broadcast_in_dim3A_87 = vector.broadcast %broadcast_in_dim3A_86 : f32 to vector<16x1xf32>
    %slice3A_88 = vector.extract_strided_slice %select_n3A_85 {offsets = [0, 0], sizes = [16, 4095], strides = [1, 1]} : vector<16x4096xf32> to vector<16x4095xf32>
    %concatenate3A_89 = tpu.concatenate %broadcast_in_dim3A_87, %slice3A_88 in 1 : vector<16x1xf32>, vector<16x4095xf32> -> vector<16x4096xf32>
    %add3A_90 = arith.addf %select_n3A_85, %concatenate3A_89 : vector<16x4096xf32>
    %broadcast_in_dim3A_91 = arith.constant 0.000000e+00 : f32
    %broadcast_in_dim3A_92 = vector.broadcast %broadcast_in_dim3A_91 : f32 to vector<16x2xf32>
    %slice3A_93 = vector.extract_strided_slice %add3A_90 {offsets = [0, 0], sizes = [16, 4094], strides = [1, 1]} : vector<16x4096xf32> to vector<16x4094xf32>
    %concatenate3A_94 = tpu.concatenate %broadcast_in_dim3A_92, %slice3A_93 in 1 : vector<16x2xf32>, vector<16x4094xf32> -> vector<16x4096xf32>
    %add3A_95 = arith.addf %add3A_90, %concatenate3A_94 : vector<16x4096xf32>
    %broadcast_in_dim3A_96 = arith.constant 0.000000e+00 : f32
    %broadcast_in_dim3A_97 = vector.broadcast %broadcast_in_dim3A_96 : f32 to vector<16x4xf32>
    %slice3A_98 = vector.extract_strided_slice %add3A_95 {offsets = [0, 0], sizes = [16, 4092], strides = [1, 1]} : vector<16x4096xf32> to vector<16x4092xf32>
    %concatenate3A_99 = tpu.concatenate %broadcast_in_dim3A_97, %slice3A_98 in 1 : vector<16x4xf32>, vector<16x4092xf32> -> vector<16x4096xf32>
    %add3A_100 = arith.addf %add3A_95, %concatenate3A_99 : vector<16x4096xf32>
    %broadcast_in_dim3A_101 = arith.constant 0.000000e+00 : f32
    %broadcast_in_dim3A_102 = vector.broadcast %broadcast_in_dim3A_101 : f32 to vector<16x8xf32>
    %slice3A_103 = vector.extract_strided_slice %add3A_100 {offsets = [0, 0], sizes = [16, 4088], strides = [1, 1]} : vector<16x4096xf32> to vector<16x4088xf32>
    %concatenate3A_104 = tpu.concatenate %broadcast_in_dim3A_102, %slice3A_103 in 1 : vector<16x8xf32>, vector<16x4088xf32> -> vector<16x4096xf32>
    %add3A_105 = arith.addf %add3A_100, %concatenate3A_104 : vector<16x4096xf32>
    %broadcast_in_dim3A_106 = arith.constant 0.000000e+00 : f32
    %broadcast_in_dim3A_107 = vector.broadcast %broadcast_in_dim3A_106 : f32 to vector<16x16xf32>
    %slice3A_108 = vector.extract_strided_slice %add3A_105 {offsets = [0, 0], sizes = [16, 4080], strides = [1, 1]} : vector<16x4096xf32> to vector<16x4080xf32>
    %concatenate3A_109 = tpu.concatenate %broadcast_in_dim3A_107, %slice3A_108 in 1 : vector<16x16xf32>, vector<16x4080xf32> -> vector<16x4096xf32>
    %add3A_110 = arith.addf %add3A_105, %concatenate3A_109 : vector<16x4096xf32>
    %broadcast_in_dim3A_111 = arith.constant 0.000000e+00 : f32
    %broadcast_in_dim3A_112 = vector.broadcast %broadcast_in_dim3A_111 : f32 to vector<16x32xf32>
    %slice3A_113 = vector.extract_strided_slice %add3A_110 {offsets = [0, 0], sizes = [16, 4064], strides = [1, 1]} : vector<16x4096xf32> to vector<16x4064xf32>
    %concatenate3A_114 = tpu.concatenate %broadcast_in_dim3A_112, %slice3A_113 in 1 : vector<16x32xf32>, vector<16x4064xf32> -> vector<16x4096xf32>
    %add3A_115 = arith.addf %add3A_110, %concatenate3A_114 : vector<16x4096xf32>
    %broadcast_in_dim3A_116 = arith.constant 0.000000e+00 : f32
    %broadcast_in_dim3A_117 = vector.broadcast %broadcast_in_dim3A_116 : f32 to vector<16x64xf32>
    %slice3A_118 = vector.extract_strided_slice %add3A_115 {offsets = [0, 0], sizes = [16, 4032], strides = [1, 1]} : vector<16x4096xf32> to vector<16x4032xf32>
    %concatenate3A_119 = tpu.concatenate %broadcast_in_dim3A_117, %slice3A_118 in 1 : vector<16x64xf32>, vector<16x4032xf32> -> vector<16x4096xf32>
    %add3A_120 = arith.addf %add3A_115, %concatenate3A_119 : vector<16x4096xf32>
    %broadcast_in_dim3A_121 = arith.constant 0.000000e+00 : f32
    %broadcast_in_dim3A_122 = vector.broadcast %broadcast_in_dim3A_121 : f32 to vector<16x128xf32>
    %slice3A_123 = vector.extract_strided_slice %add3A_120 {offsets = [0, 0], sizes = [16, 3968], strides = [1, 1]} : vector<16x4096xf32> to vector<16x3968xf32>
    %concatenate3A_124 = tpu.concatenate %broadcast_in_dim3A_122, %slice3A_123 in 1 : vector<16x128xf32>, vector<16x3968xf32> -> vector<16x4096xf32>
    %add3A_125 = arith.addf %add3A_120, %concatenate3A_124 : vector<16x4096xf32>
    %broadcast_in_dim3A_126 = arith.constant 0.000000e+00 : f32
    %broadcast_in_dim3A_127 = vector.broadcast %broadcast_in_dim3A_126 : f32 to vector<16x256xf32>
    %slice3A_128 = vector.extract_strided_slice %add3A_125 {offsets = [0, 0], sizes = [16, 3840], strides = [1, 1]} : vector<16x4096xf32> to vector<16x3840xf32>
    %concatenate3A_129 = tpu.concatenate %broadcast_in_dim3A_127, %slice3A_128 in 1 : vector<16x256xf32>, vector<16x3840xf32> -> vector<16x4096xf32>
    %add3A_130 = arith.addf %add3A_125, %concatenate3A_129 : vector<16x4096xf32>
    %broadcast_in_dim3A_131 = arith.constant 0.000000e+00 : f32
    %broadcast_in_dim3A_132 = vector.broadcast %broadcast_in_dim3A_131 : f32 to vector<16x512xf32>
    %slice3A_133 = vector.extract_strided_slice %add3A_130 {offsets = [0, 0], sizes = [16, 3584], strides = [1, 1]} : vector<16x4096xf32> to vector<16x3584xf32>
    %concatenate3A_134 = tpu.concatenate %broadcast_in_dim3A_132, %slice3A_133 in 1 : vector<16x512xf32>, vector<16x3584xf32> -> vector<16x4096xf32>
    %add3A_135 = arith.addf %add3A_130, %concatenate3A_134 : vector<16x4096xf32>
    %broadcast_in_dim3A_136 = arith.constant 0.000000e+00 : f32
    %broadcast_in_dim3A_137 = vector.broadcast %broadcast_in_dim3A_136 : f32 to vector<16x1024xf32>
    %slice3A_138 = vector.extract_strided_slice %add3A_135 {offsets = [0, 0], sizes = [16, 3072], strides = [1, 1]} : vector<16x4096xf32> to vector<16x3072xf32>
    %concatenate3A_139 = tpu.concatenate %broadcast_in_dim3A_137, %slice3A_138 in 1 : vector<16x1024xf32>, vector<16x3072xf32> -> vector<16x4096xf32>
    %add3A_140 = arith.addf %add3A_135, %concatenate3A_139 : vector<16x4096xf32>
    %broadcast_in_dim3A_141 = arith.constant 0.000000e+00 : f32
    %broadcast_in_dim3A_142 = vector.broadcast %broadcast_in_dim3A_141 : f32 to vector<16x2048xf32>
    %slice3A_143 = vector.extract_strided_slice %add3A_140 {offsets = [0, 0], sizes = [16, 2048], strides = [1, 1]} : vector<16x4096xf32> to vector<16x2048xf32>
    %concatenate3A_144 = tpu.concatenate %broadcast_in_dim3A_142, %slice3A_143 in 1 : vector<16x2048xf32>, vector<16x2048xf32> -> vector<16x4096xf32>
    %add3A_145 = arith.addf %add3A_140, %concatenate3A_144 : vector<16x4096xf32>
    %sub3A_146 = arith.constant 1.000000e+00 : f32
    %sub3A_147 = vector.broadcast %sub3A_146 : f32 to vector<16x4096xf32>
    %sub3A_148 = arith.subf %add3A_145, %sub3A_147 : vector<16x4096xf32>
    %convert_element_type3A_149 = arith.fptosi %sub3A_148 : vector<16x4096xf32> to vector<16x4096xi32>
    %jit3A_150 = arith.constant -1 : i32
    %broadcast_in_dim3A_151 = vector.broadcast %jit3A_150 : i32 to vector<16x4096xi32>
    %select_n3A_152 = arith.select %or3A, %convert_element_type3A_149, %broadcast_in_dim3A_151 : vector<16x4096xi1>, vector<16x4096xi32>
    %swap3A = arith.constant 0 : index
    %swap3A_153 = arith.constant 0 : index
    %swap3A_154 = vector.load %arg1[%swap3A, %swap3A_153] : memref<16x4096xi32, #tpu.memory_space<vmem>>, vector<16x4096xi32>
    tpu.vector_store %arg1[%swap3A, %swap3A_153], %select_n3A_152 {strides = array<i32>} : memref<16x4096xi32, #tpu.memory_space<vmem>>, vector<16x4096xi32>,
    return
  }
}

module attributes {stable_mosaic.version = 14 : i64} {
  func.func @_norms_body(%arg0: i32, %arg1: memref<1x32x128x512xf32, #tpu.memory_space<vmem>>, %arg2: memref<1x32x128xf32, #tpu.memory_space<vmem>>) attributes {dimension_semantics = [#tpu.dimension_semantics<arbitrary>], iteration_bounds = array<i64: 16>, scalar_prefetch = 0 : i64, scratch_operands = 0 : i64, tpu.core_type = #tpu.core_type<tc>, window_params = [{transform_indices = @transform_0, window_bounds = array<i64: 1, 32, 128, 512>}, {transform_indices = @transform_1, window_bounds = array<i64: 1, 32, 128>}]} {
    %get3A = arith.constant 0 : index
    %get3A_0 = arith.constant 0 : index
    %get3A_1 = arith.constant 0 : index
    %get3A_2 = arith.constant 0 : index
    %get3A_3 = vector.load %arg1[%get3A, %get3A_0, %get3A_1, %get3A_2] : memref<1x32x128x512xf32, #tpu.memory_space<vmem>>, vector<1x32x128x512xf32>
    %get3A_4 = vector.shape_cast %get3A_3 : vector<1x32x128x512xf32> to vector<32x128x512xf32>
    %mul3A = arith.mulf %get3A_4, %get3A_4 : vector<32x128x512xf32>
    %reduce_sum3A = arith.constant dense<0.000000e+00> : vector<32x128xf32>
    %reduce_sum3A_5 = vector.multi_reduction <add>, %mul3A, %reduce_sum3A [2] : vector<32x128x512xf32> to vector<32x128xf32>
    %sqrt3A = math.sqrt %reduce_sum3A_5 : vector<32x128xf32>
    %broadcast_in_dim3A = vector.shape_cast %sqrt3A : vector<32x128xf32> to vector<1x32x128xf32>
    %swap3A = arith.constant 0 : index
    %swap3A_6 = arith.constant 0 : index
    %swap3A_7 = arith.constant 0 : index
    %swap3A_8 = vector.load %arg2[%swap3A, %swap3A_6, %swap3A_7] : memref<1x32x128xf32, #tpu.memory_space<vmem>>, vector<1x32x128xf32>
    tpu.vector_store %arg2[%swap3A, %swap3A_6, %swap3A_7], %broadcast_in_dim3A {strides = array<i32>} : memref<1x32x128xf32, #tpu.memory_space<vmem>>, vector<1x32x128xf32>,
    return
  }
  func.func @transform_0(%arg0: i32) -> (i32, i32, i32, i32) {
    %c0_i32 = arith.constant 0 : i32
    %c0_i32_0 = arith.constant 0 : i32
    %c0_i32_1 = arith.constant 0 : i32
    %c0_i32_2 = arith.constant 0 : i32
    return %arg0, %c0_i32, %c0_i32_0, %c0_i32_1 : i32, i32, i32, i32
  }
  func.func @transform_1(%arg0: i32) -> (i32, i32, i32) {
    %c0_i32 = arith.constant 0 : i32
    %c0_i32_0 = arith.constant 0 : i32
    %c0_i32_1 = arith.constant 0 : i32
    return %arg0, %c0_i32, %c0_i32_0 : i32, i32, i32
  }
}

</mosaic_0001>

<sc_bundles>
// kernel: kernel.5.cloned.1.call-start
scs
__scs_entry_jumppad:
0x0: {  	(pc) =	sbr.rel $0x88, $3  }
0x1: {  	(tag) =	ssettag $0x0;
	lr =	simm.s32 $0x1  }
0x2: {  	[smem:$0x3FA0] =	sst lr;
	_ =	strace $0xD0000000  }
0x3: {  	_ = 	snop  }
0x4: {  	_ = 	snop  }
0x5: {  	_ = 	snop  }
0x6: {  	_ = 	snop  }
0x7: {  	_ = 	snop  }
__scs_overlays_trampoline_lowered:
0x8: {  	[smem:$0x3FAF] =	sst s0  }
0x9: {  	[smem:$0x3FB0] =	sst s1  }
0xa: {  	[smem:$0x3FB1] =	sst s2  }
0xb: {  	[smem:$0x3FB2] =	sst s3  }
0xc: {  	[smem:$0x3FB3] =	sst s4  }
0xd: {  	[smem:$0x3FB4] =	sst s5  }
0xe: {  	[smem:$0x3FB5] =	sst s6  }
0xf: {  	[smem:$0x3FB6] =	sst s7  }
0x10: {  	[smem:$0x3FB7] =	sst s8  }
0x11: {  	[smem:$0x3FB8] =	sst s9;
	s0 =	simm.s32 @!p0 $0x0  }
0x12: {  	s1 =	sld [smem:$0x3F9E];
	s0 =	simm.s32 @p0 $0x1  }
0x13: {  	[smem:$0x3FB9] =	sst s0;
	s0 =	simm.s32 @!p1 $0x0  }
0x14: {  	s2 =	sld [smem:$0x3F9D];
	s0 =	simm.s32 @p1 $0x1  }
0x15: {  	[smem:$0x3FBA] =	sst s0;
	s0 =	simm.s32 @!p2 $0x0  }
0x16: {  	s3 =	sld [smem:$0x3FDB];
	s0 =	simm.s32 @p2 $0x1  }
0x17: {  	s4 =	simm.s32 $0x1BF5;
	[smem:$0x3FBC] =	sst s0  }
0x18: {  	s0 =	sld [smem:$0x3F9F];
	_ =	swait.ge [sflag:s4], $0x0  }
0x19: {  	s7 =	sld [smem:$0x3FA0]  }
0x1a: {  	s8 =	sadd.s32 $0xFFFFE003, lr  }
0x1b: {  	s9 =	sadd.s32 $0xFFFFFEF7, lr;
	s5 =	simm.s32 $0xFFFFFFFF;
	p2 =	slt.u32 s8, $0xFFFFF086  }
0x1c: {  	p1 =	slt.u32 s9, $0xF7A;
	s5 =	simm.s32 @!p2 $0x0  }
0x1d: {  	s5 =	simm.s32 @p1 $0x1;
	p0 =	seq.s32 s7, s2  }
0x1e: {  	s7 =	smul.u32 @!p0 $0xF7A, s2;
	p2 =	seq.s32 @!p0 s5, $0x0  }
0x1f: {  	s9 =	smul.u32 $0xF7A, s1;
	s8 =	simm.s32 @!p0 $0x1BF5;
	p2 =	por !p2, p0  }
0x20: {  	[sflag:s8] =	ssyncset.s32 @!p0 $0xFFFFF086;
	s6 =	sadd.s32 @!p0 s3, s7;
	s7 =	simm.s32 @!p0 $0x108  }
0x21: {  	s3 =	sadd.s32 s3, s9;
	s6 =	sadd.s32 @!p0 $0x88, s6;
	s7 =	simm.s32 @p2 $0x1082  }
0x22: {  	[simem:s7], [sflag:s8] =	dma.local @!p0 [hbm:s6], $0xF7A  }
0x23: {  	s9 =	sor.u32 $0xD0000000, s2;
	s6 =	simm.s32 $0x108;
	_ =	swait.ge @!p0 [sflag:s8], $0x0  }
0x24: {  	s3 =	sadd.s32 $0x88, s3;
	s6 =	simm.s32 @!p1 $0x1082;
	[sflag:s4] =	ssyncset.s32 $0xFFFFF086  }
0x25: {  	[simem:s6], [sflag:s4] =	dma.local [hbm:s3], $0xF7A  }
0x26: {  	[smem:$0x3FA0] =	sst s1;
	(tag) =	ssettag s2;
	_ =	strace s9  }
0x27: {  	s1 =	sld [smem:$0x3FB0]  }
0x28: {  	s2 =	sld [smem:$0x3FB1]  }
0x29: {  	s4 =	sld [smem:$0x3FB3]  }
0x2a: {  	p0 =	seq.s32 s5, $0x0;
	s5 =	sld [smem:$0x3FB4]  }
0x2b: {  	s6 =	sld [smem:$0x3FB5]  }
0x2c: {  	s7 =	sld [smem:$0x3FB6]  }
0x2d: {  	s3 =	simm.s32 $0x108;
	s8 =	sld [smem:$0x3FB7]  }
0x2e: {  	s3 =	simm.s32 @!p0 $0x1082;
	s9 =	sld [smem:$0x3FB8]  }
0x2f: {  	lr =	sadd.s32 s0, s3;
	s0 =	sld [smem:$0x3FAF]  }
0x30: {  	s3 =	sld [smem:$0x3FB2]  }
0x31: {  	[smem:$0x3FBB] =	sst s10  }
0x32: {  	s10 =	sld [smem:$0x3FB9];
	_ =	sdelay $0x3  }
0x33: {  	p0 =	seq.s32 s10, $0x1;
	s10 =	sld [smem:$0x3FBB];
	_ =	sdelay $0x3  }
0x34: {  	[smem:$0x3FBB] =	sst s10  }
0x35: {  	s10 =	sld [smem:$0x3FBA];
	_ =	sdelay $0x3  }
0x36: {  	p1 =	seq.s32 s10, $0x1;
	s10 =	sld [smem:$0x3FBB];
	_ =	sdelay $0x3  }
0x37: {  	[smem:$0x3FBB] =	sst s10  }
0x38: {  	s10 =	sld [smem:$0x3FBC]  }
0x39: {  	_ = 	snop;
	(pc) =	sbr.ind lr, $3  }
0x3a: {  	_ = 	snop  }
0x3b: {  	_ = 	snop  }
0x3c: {  	p2 =	seq.s32 s10, $0x1;
	s10 =	sld [smem:$0x3FBB]  }
0x3d: {  	_ =	shalt  }
0x3e: {  	_ =	shalt  }
0x3f: {  	_ =	shalt  }
0x40: {  	_ =	shalt  }
0x41: {  	_ =	shalt  }
0x42: {  	_ =	shalt  }
0x43: {  	_ =	shalt  }
0x44: {  	_ =	shalt  }
0x45: {  	_ =	shalt  }
0x46: {  	_ =	shalt  }
0x47: {  	_ =	shalt  }
0x48: {  	_ =	shalt  }
0x49: {  	_ =	shalt  }
0x4a: {  	_ =	shalt  }
0x4b: {  	_ =	shalt  }
0x4c: {  	_ =	shalt  }
0x4d: {  	_ =	shalt  }
0x4e: {  	_ =	shalt  }
0x4f: {  	_ =	shalt  }
0x50: {  	_ =	shalt  }
0x51: {  	_ =	shalt  }
0x52: {  	_ =	shalt  }
0x53: {  	_ =	shalt  }
0x54: {  	_ =	shalt  }
0x55: {  	_ =	shalt  }
0x56: {  	_ =	shalt  }
0x57: {  	_ =	shalt  }
0x58: {  	_ =	shalt  }
0x59: {  	_ =	shalt  }
0x5a: {  	_ =	shalt  }
0x5b: {  	_ =	shalt  }
0x5c: {  	_ =	shalt  }
0x5d: {  	_ =	shalt  }
0x5e: {  	_ =	shalt  }
0x5f: {  	_ =	shalt  }
0x60: {  	_ =	shalt  }
0x61: {  	_ =	shalt  }
0x62: {  	_ =	shalt  }
0x63: {  	_ =	shalt  }
0x64: {  	_ =	shalt  }
0x65: {  	_ =	shalt  }
0x66: {  	_ =	shalt  }
0x67: {  	_ =	shalt  }
0x68: {  	_ =	shalt  }
0x69: {  	_ =	shalt  }
0x6a: {  	_ =	shalt  }
0x6b: {  	_ =	shalt  }
0x6c: {  	_ =	shalt  }
0x6d: {  	_ =	shalt  }
0x6e: {  	_ =	shalt  }
0x6f: {  	_ =	shalt  }
0x70: {  	_ =	shalt  }
0x71: {  	_ =	shalt  }
0x72: {  	_ =	shalt  }
0x73: {  	_ =	shalt  }
0x74: {  	_ =	shalt  }
0x75: {  	_ =	shalt  }
0x76: {  	_ =	shalt  }
0x77: {  	_ =	shalt  }
0x78: {  	_ =	shalt  }
0x79: {  	_ =	shalt  }
0x7a: {  	_ =	shalt  }
0x7b: {  	_ =	shalt  }
0x7c: {  	_ =	shalt  }
0x7d: {  	_ =	shalt  }
0x7e: {  	_ =	shalt  }
0x7f: {  	_ =	shalt  }
0x80: {  	_ =	shalt  }
0x81: {  	_ =	shalt  }
0x82: {  	_ =	shalt  }
0x83: {  	_ =	shalt  }
0x84: {  	_ =	shalt  }
0x85: {  	_ =	shalt  }
0x86: {  	_ =	shalt  }
0x87: {  	_ =	shalt  }
.Lfunc_end0:
.L_simem_size_0:
called_computation_lowered:
.L_overlay_start_0:
0x88: {  	s2 =	sld [smem:$0x3FD9]  }
0x89: {  	s3 =	sld [smem:$0x3FFE];
	_ =	sdelay $0x1  }
0x8a: {  	s1 =	srdreg.scid  }
0x8b: {  	s0 =	sand.u32 $0x1, s1  }
0x8c: {  	s17 =	sshll.u32 s0, $0xA;
	s2 =	sadd.s32 s3, s2  }
0x8d: {  	s2 =	sadd.s32 s2, s17  }
0x8e: {  	[smem:$0x3FC7] =	sst s2  }
0x8f: {  	_ = 	snop  }
0x90: {  	s2 =	sld [smem:$0x3FC9];
	(tm) =	ssettm $0x1  }
0x91: {  	s18 =	sld [smem:$0x3FFB];
	_ =	sdelay $0x3  }
0x92: {  	_ =	strace s18  }
0x93: {  	s3 =	sld [smem:$0x3FFC];
	_ =	sdelay $0x3  }
0x94: {  	_ =	strace s3  }
0x95: {  	s3 =	sld [smem:$0x3FFD];
	_ =	sdelay $0x3  }
0x96: {  	_ =	strace s3  }
0x97: {  	_ =	strace $0x8FFFFFFF  }
0x98: {  	s19 =	sld [smem:$0x3FDB];
	_ =	sdelay $0x1  }
0x99: {  	s4 =	simm.s32 $_scs_section_size  }
0x9a: {  	s5 =	simm.s32 $_size__tile_overlayer_lowered;
	s6 =	simm.s32 $_tile_overlayer_lowered  }
0x9b: {  	s22 =	simm.s32 $0x1BFF;
	s21 =	sshll.u32 s6, $0x1;
	s3 =	sadd.s32 s4, s19  }
0x9c: {  	s7 =	simm.s32 $0x0;
	s20 =	sshll.u32 s5, $0x1;
	s5 =	sadd.s32 s21, s3  }
0x9d: {  	[timem:s7], [sflag:s22] =	dma.local [hbm:s5], s20  }
0x9e: {  	_ =	swait.ge [sflag:s22], s20  }
0x9f: {  	s4 =	ssub.s32 $0x0, s20;
	[sflag:s22] =	ssyncset.done $0x0  }
0xa0: {  	[sflag:s22] =	ssyncadd.s32 s4;
	_ =	sdelay $0x1  }
0xa1: {  	s23 =	simm.s32 $0x1B8B  }
0xa2: {  	_ =	swait.ge [sflag:s23], $0x1  }
0xa3: {  	[sflag:s23] =	ssyncset.done $0x0  }
0xa4: {  	s25 =	simm.s32 $0x1B8E;
	s24 =	sld [smem:$0x3FFE];
	[sflag:s23] =	ssyncadd.s32 $0xFFFFFFFF  }
0xa5: {  	s26 =	simm.s32 $execute0_lowered;
	[smem:$0x3FD2] =	sst s25  }
0xa6: {  	s5 =	sshll.u32 s26, $0x1;
	_ =	strace $0x80000046;
	[dreg:$0x1] =	wrdreg $0xFFFFFFFF  }
0xa7: {  	s28 =	simm.s32 $_size_execute0_lowered;
	s3 =	sadd.s32 s3, s5;
	[dreg:$0x0] =	wrdreg $0x0  }
0xa8: {  	s5 =	sshll.u32 s28, $0x1;
	[dreg:$0x2] =	wrdreg s3  }
0xa9: {  	[dreg:$0x3] =	wrdreg s5  }
0xaa: {  	[dreg:$0x4] =	wrdreg $0xC0  }
0xab: {  	_ =	task [dreg:s7], $0x5FFFF  }
0xac: {  	[dreg:$0x1] =	wrdreg $0xFFFFFFFF  }
0xad: {  	[dreg:$0x0] =	wrdreg $0x60  }
0xae: {  	[dreg:$0x2] =	wrdreg s24  }
0xaf: {  	[dreg:$0x3] =	wrdreg s2  }
0xb0: {  	[dreg:$0x4] =	wrdreg $0x9  }
0xb1: {  	_ =	task.clear_ibuf [dreg:s7], $0x5FFFF;
	_ =	strace $0x90000046  }
0xb2: {  	s29 =	simm.s32 $0x9;
	_ =	strace $0x80000048  }
0xb3: {  	_ =	swait.ge [sflag:s29], $0x1  }
0xb4: {  	[sflag:s29] =	ssyncadd.s32 $0xFFFFFFFF  }
0xb5: {  	_ =	strace $0x90000048  }
0xb6: {  	_ =	sfence  }
0xb7: {  	s30 =	sld [smem:$0x0];
	_ =	sdelay $0x2  }
0xb8: {  	s31 =	sshll.u32 s1, $0xD;
	s1 =	sshrl.u32 s1, $0x2  }
0xb9: {  	s3 =	sand.u32 $0x4000, s31;
	s1 =	sadd.s32 s1, s30  }
0xba: {  	s0 =	sor.u32 s3, s0;
	s1 =	sshll.u32 s1, $0x11  }
0xbb: {  	s0 =	sor.u32 s1, s0  }
0xbc: {  	s0 =	sadd.s32 $0x8F2B, s0  }
0xbd: {  	[sflag:s0] =	ssyncadd.remote.s32 $0x1  }
0xbe: {  	_ =	sfence.sel $0xFFFF  }
0xbf: {  	[dreg:$0x0] =	wrdreg $0xFFFFFFFF;
	(pc) =	sbr.abs _section_cstart, $3  }
0xc0: {  	[dreg:$0x1] =	wrdreg $0xFFFFFFFF  }
0xc1: {  	_ =	task.clear_ibuf [dreg:s7], $0x2FFFF;
	_ =	strace $0x9FFFFFFF  }
0xc2: {  	(tm) =	ssettm $0x7FFFFFFF  }
0xc3: {  	_ =	shalt  }
tec
execute0_lowered:
.L_overlay_start_1:
0x0: {  	(tag) =	ssettag $0x1  }
0x1: {  	s1 =	stileid.u32  }
0x2: {  	p0 =	sgt.u32 s1, $0x7  }
.Ltmp0:
0x3: {  	_ = 	snop;
	(pc) =	sbr.rel @p0 .LBB2_7-.Ltmp0, $4  }
0x4: {  	_ = 	snop  }
0x5: {  	s0 =	rddreg [dreg:$0x0];
	s3 =	simm.s32 $0x0  }
0x6: {  	[smem:$0x7FF] =	sst s3  }
0x7: {  	s2 =	rddreg [dreg:$0x1];
	_ =	strace $0x80000047  }
0x8: {  	s1 =	srdreg.scid;
	s10 =	stileid.u32;
	s8 =	sadd.s32 $0x400, s0  }
0x9: {  	s15 =	simm.s32 $0x3080;
	s16 =	simm.s32 $0x3880;
	s17 =	simm.s32 $0x4080  }
0xa: {  	s18 =	simm.s32 $0x4880;
	s19 =	simm.s32 $0x5080;
	s20 =	simm.s32 $0x5880  }
0xb: {  	s21 =	simm.s32 $0x6080;
	s22 =	simm.s32 $0x6880;
	s23 =	simm.s32 $0x7080  }
0xc: {  	s24 =	simm.s32 $0x7880;
	s28 =	simm.s32 $0x1;
	s29 =	simm.s32 $0x9080  }
0xd: {  	s30 =	simm.s32 $0x0;
	s1 =	sand.u32 $0x1, s1;
	s4 =	sshll.u32 s10, $0x1  }
0xe: {  	v0 =	vlaneseq.u32;
	s31 =	sshll.u32 s10, $0xD;
	s10 =	simm.s32 $0x1000;
	s6 =	sor.u32 s1, s4  }
0xf: {  	v1 =	vand.u32 $0x7, v0;
	v2 =	vshrl.u32 v0, $0x3;
	s7 =	ssub.s32 $0x2, s1;
	s1 =	sshll.u32 s1, $0xC;
	s4 =	sshll.u32 s6, $0x6  }
0x10: {  	[tilespmem:$0x1FFD0] =	vst v1;
	v1 =	vmul.u32 $0x8, v2;
	s9 =	sshrl.u32 s7, $0x1;
	s6 =	sshll.u32 s6, $0x9;
	s25 =	sadd.s32 s4, s0  }
0x11: {  	s4 =	sadd.s32 $0x100, s2;
	s26 =	ssub.s32 s7, s9;
	s6 =	sadd.s32 s8, s6  }
0x12: {  	s8 =	sor.u32 s1, s31;
	s9 =	simm.s32 $0x2;
	[tilespmem:$0x1FFE0] =	vst v1;
	v1 =	vor.u32 $0x8, v0;
	s5 =	sadd.s32 $0x2400, s25  }
0x13: {  	vm0 =	vmmov $0xffff;
	s7 =	smax.u32 s26, $0x1;
	s25 =	simm.s32 $0x8080;
	s26 =	simm.s32 $0x8880;
	[tilespmem:$0x1FFF0] =	vst v1  }
.LBB2_2:
0x14: {  	s0 =	simm.s32 $0x0  }
0x15: {  	[tilespmem:s0], [sflag:$0x2] =	stream.linear.gather [hbm4b:s6+s0], $0x1000, $0x38;
	[tilespmem:$0x9280] =	vst v63  }
0x16: {  	_ =	swait.ge [sflag:s9], $0x1000  }
0x17: {  	[sflag:s9] =	ssyncset.done $0x0  }
0x18: {  	s1 =	simm.s32 $0x20;
	[sflag:s9] =	ssyncadd.s32 $0xFFFFF000  }
.LBB2_3:
0x19: {  	v4 =	vld [tilespmem:s1+$0xFFFFFFE0];
	_ =	sdelay $0x4  }
0x1a: {  	vm1 =	vgt.s32 v4, $0xFFFFFFFF;
	_ =	sdelay $0x3  }
0x1b: {  	s11 =	sadd.s32 s0, s8  }
0x1c: {  	v5 =	vor.u32 s11, v0  }
0x1d: {  	[tilespmem:v4+s10+$0x0] =	vst.idx.msk vm1, v5  }
0x1e: {  	v4 =	vld [tilespmem:s1+$0xFFFFFFF0];
	_ =	sdelay $0x4  }
0x1f: {  	vm1 =	vgt.s32 v4, $0xFFFFFFFF;
	_ =	sdelay $0x3  }
0x20: {  	s12 =	sadd.s32 $0x10, s11  }
0x21: {  	v61 =	vor.u32 s12, v0  }
0x22: {  	[tilespmem:v4+s10+$0x0] =	vst.idx.msk vm1, v61  }
0x23: {  	v4 =	vld [tilespmem:s1+$0x0];
	_ =	sdelay $0x4  }
0x24: {  	vm1 =	vgt.s32 v4, $0xFFFFFFFF;
	_ =	sdelay $0x3  }
0x25: {  	s31 =	sadd.s32 $0x20, s11  }
0x26: {  	v62 =	vor.u32 s31, v0  }
0x27: {  	[tilespmem:v4+s10+$0x0] =	vst.idx.msk vm1, v62  }
0x28: {  	v4 =	vld [tilespmem:s1+$0x10];
	_ =	sdelay $0x4  }
0x29: {  	vm1 =	vgt.s32 v4, $0xFFFFFFFF  }
0x2a: {  	p0 =	sne.s32 s0, $0xFC0  }
.Ltmp1:
0x2b: {  	_ = 	snop;
	(pc) =	sbr.rel @p0 .LBB2_3-.Ltmp1, $4  }
0x2c: {  	_ = 	snop  }
0x2d: {  	s11 =	sadd.s32 $0x30, s11  }
0x2e: {  	v63 =	vor.u32 s11, v0  }
0x2f: {  	s0 =	sadd.s32 $0x40, s0;
	s1 =	sadd.s32 $0x40, s1;
	[tilespmem:v4+s10+$0x0] =	vst.idx.msk vm1, v63  }
0x30: {  	v4 =	vld [tilespmem:$0x1000];
	_ =	sdelay $0x2  }
0x31: {  	v0 =	vld [tilespmem:$0x1FFD0];
	_ =	sdelay $0x1  }
0x32: {  	v1 =	vld [tilespmem:$0x1FFE0];
	v5 =	vshll.u32 v4, $0x2  }
0x33: {  	v4 =	vand.u32 $0x7, v4;
	v5 =	vand.u32 $0xFFFFFFE0, v5  }
0x34: {  	v2 =	vld [tilespmem:$0x1FFF0];
	v4 =	vor.u32 v4, v5  }
0x35: {  	v5 =	vperm.xlane v4, v0;
	_ =	sdelay $0x1  }
0x36: {  	v5 =	vadd.s32 v1, v5;
	_ =	sdelay $0x1  }
0x37: {  	v4 =	vperm.xlane v4, v2;
	_ =	sdelay $0x1  }
0x38: {  	s31 =	simm.s32 $0x0;
	s0 =	simm.s32 $0x1080;
	v4 =	vadd.s32 v1, v4  }
0x39: {  	[tilespmem:s0], [sflag:$0x1] =	stream.indirect_vreg.gather [hbm4b:s2+s31], $0x80, v5, vm0, $0xb8;
	[tilespmem:$0x9280] =	vst v63  }
0x3a: {  	s11 =	simm.s32 $0x1880  }
0x3b: {  	[tilespmem:s11], [sflag:$0x1] =	stream.indirect_vreg.gather [hbm4b:s4+s31], $0x80, v5, vm0, $0xb8;
	[tilespmem:$0x9280] =	vst v63  }
0x3c: {  	s12 =	simm.s32 $0x2080  }
0x3d: {  	[tilespmem:s12], [sflag:$0x1] =	stream.indirect_vreg.gather [hbm4b:s2+s31], $0x80, v4, vm0, $0xb8;
	[tilespmem:$0x9280] =	vst v63  }
0x3e: {  	s13 =	simm.s32 $0x2880  }
0x3f: {  	[tilespmem:s13], [sflag:$0x1] =	stream.indirect_vreg.gather [hbm4b:s4+s31], $0x80, v4, vm0, $0xb8;
	[tilespmem:$0x9280] =	vst v63  }
0x40: {  	v4 =	vld [tilespmem:$0x1010];
	_ =	sdelay $0x4  }
0x41: {  	v44 =	vshll.u32 v4, $0x2  }
0x42: {  	v4 =	vand.u32 $0x7, v4;
	v5 =	vand.u32 $0xFFFFFFE0, v44  }
0x43: {  	v4 =	vor.u32 v4, v5  }
0x44: {  	v5 =	vperm.xlane v4, v0;
	_ =	sdelay $0x1  }
0x45: {  	v5 =	vadd.s32 v1, v5;
	_ =	sdelay $0x1  }
0x46: {  	v4 =	vperm.xlane v4, v2;
	_ =	sdelay $0x1  }
0x47: {  	v4 =	vadd.s32 v1, v4  }
0x48: {  	[tilespmem:s15], [sflag:$0x1] =	stream.indirect_vreg.gather [hbm4b:s2+s31], $0x80, v5, vm0, $0xb8;
	[tilespmem:$0x9280] =	vst v63  }
0x49: {  	_ = 	snop  }
0x4a: {  	[tilespmem:s16], [sflag:$0x1] =	stream.indirect_vreg.gather [hbm4b:s4+s31], $0x80, v5, vm0, $0xb8;
	[tilespmem:$0x9280] =	vst v63  }
0x4b: {  	_ = 	snop  }
0x4c: {  	[tilespmem:s17], [sflag:$0x1] =	stream.indirect_vreg.gather [hbm4b:s2+s31], $0x80, v4, vm0, $0xb8;
	[tilespmem:$0x9280] =	vst v63  }
0x4d: {  	_ = 	snop  }
0x4e: {  	[tilespmem:s18], [sflag:$0x1] =	stream.indirect_vreg.gather [hbm4b:s4+s31], $0x80, v4, vm0, $0xb8;
	[tilespmem:$0x9280] =	vst v63  }
0x4f: {  	v4 =	vld [tilespmem:$0x1020];
	_ =	sdelay $0x4  }
0x50: {  	v45 =	vshll.u32 v4, $0x2  }
0x51: {  	v4 =	vand.u32 $0x7, v4;
	v5 =	vand.u32 $0xFFFFFFE0, v45  }
0x52: {  	v4 =	vor.u32 v4, v5  }
0x53: {  	v5 =	vperm.xlane v4, v0;
	_ =	sdelay $0x1  }
0x54: {  	v5 =	vadd.s32 v1, v5;
	_ =	sdelay $0x1  }
0x55: {  	v4 =	vperm.xlane v4, v2;
	_ =	sdelay $0x1  }
0x56: {  	v4 =	vadd.s32 v1, v4  }
0x57: {  	[tilespmem:s19], [sflag:$0x1] =	stream.indirect_vreg.gather [hbm4b:s2+s31], $0x80, v5, vm0, $0xb8;
	[tilespmem:$0x9280] =	vst v63  }
0x58: {  	_ = 	snop  }
0x59: {  	[tilespmem:s20], [sflag:$0x1] =	stream.indirect_vreg.gather [hbm4b:s4+s31], $0x80, v5, vm0, $0xb8;
	[tilespmem:$0x9280] =	vst v63  }
0x5a: {  	_ = 	snop  }
0x5b: {  	[tilespmem:s21], [sflag:$0x1] =	stream.indirect_vreg.gather [hbm4b:s2+s31], $0x80, v4, vm0, $0xb8;
	[tilespmem:$0x9280] =	vst v63  }
0x5c: {  	_ = 	snop  }
0x5d: {  	[tilespmem:s22], [sflag:$0x1] =	stream.indirect_vreg.gather [hbm4b:s4+s31], $0x80, v4, vm0, $0xb8;
	[tilespmem:$0x9280] =	vst v63  }
0x5e: {  	v4 =	vld [tilespmem:$0x1030];
	_ =	sdelay $0x4  }
0x5f: {  	v46 =	vshll.u32 v4, $0x2  }
0x60: {  	v4 =	vand.u32 $0x7, v4;
	v5 =	vand.u32 $0xFFFFFFE0, v46  }
0x61: {  	v4 =	vor.u32 v4, v5  }
0x62: {  	v5 =	vperm.xlane v4, v0;
	_ =	sdelay $0x1  }
0x63: {  	v5 =	vadd.s32 v1, v5;
	_ =	sdelay $0x1  }
0x64: {  	v4 =	vperm.xlane v4, v2;
	_ =	sdelay $0x1  }
0x65: {  	v4 =	vadd.s32 v1, v4  }
0x66: {  	[tilespmem:s23], [sflag:$0x1] =	stream.indirect_vreg.gather [hbm4b:s2+s31], $0x80, v5, vm0, $0xb8;
	[tilespmem:$0x9280] =	vst v63  }
0x67: {  	_ = 	snop  }
0x68: {  	[tilespmem:s24], [sflag:$0x1] =	stream.indirect_vreg.gather [hbm4b:s4+s31], $0x80, v5, vm0, $0xb8;
	[tilespmem:$0x9280] =	vst v63  }
0x69: {  	_ = 	snop  }
0x6a: {  	[tilespmem:s25], [sflag:$0x1] =	stream.indirect_vreg.gather [hbm4b:s2+s31], $0x80, v4, vm0, $0xb8;
	[tilespmem:$0x9280] =	vst v63  }
0x6b: {  	_ = 	snop  }
0x6c: {  	[tilespmem:s26], [sflag:$0x1] =	stream.indirect_vreg.gather [hbm4b:s4+s31], $0x80, v4, vm0, $0xb8;
	[tilespmem:$0x9280] =	vst v63  }
0x6d: {  	_ =	swait.ge [sflag:s28], $0x8000  }
0x6e: {  	s14 =	sand.u32 $0x7000, s31;
	s1 =	sand.u32 $0x300, s31;
	[sflag:s28] =	ssyncset.done $0x0  }
0x6f: {  	s0 =	sor.u32 s1, s14;
	[sflag:s28] =	ssyncadd.s32 $0xFFFF8000  }
0x70: {  	v47 =	vld [tilespmem:s0+$0x1100]  }
0x71: {  	v6 =	vld [tilespmem:s0+$0x1110]  }
0x72: {  	v7 =	vld [tilespmem:s0+$0x1120]  }
0x73: {  	v9 =	vld [tilespmem:s0+$0x1130]  }
0x74: {  	v11 =	vld [tilespmem:s0+$0x1140]  }
0x75: {  	v12 =	vld [tilespmem:s0+$0x1150]  }
0x76: {  	v13 =	vld [tilespmem:s0+$0x1160]  }
0x77: {  	v15 =	vld [tilespmem:s0+$0x1170]  }
0x78: {  	v16 =	vld [tilespmem:s0+$0x1500]  }
0x79: {  	v19 =	vld [tilespmem:s0+$0x1510]  }
0x7a: {  	v21 =	vld [tilespmem:s0+$0x1520]  }
0x7b: {  	v22 =	vld [tilespmem:s0+$0x1530]  }
0x7c: {  	v23 =	vld [tilespmem:s0+$0x1540]  }
0x7d: {  	v24 =	vld [tilespmem:s0+$0x1550]  }
0x7e: {  	v26 =	vld [tilespmem:s0+$0x1560]  }
0x7f: {  	v29 =	vld [tilespmem:s0+$0x1570]  }
0x80: {  	v30 =	vld [tilespmem:s0+$0x1900]  }
0x81: {  	v31 =	vld [tilespmem:s0+$0x1910]  }
0x82: {  	v32 =	vld [tilespmem:s0+$0x1920]  }
0x83: {  	v35 =	vld [tilespmem:s0+$0x1930]  }
0x84: {  	v20 =	vld [tilespmem:s0+$0x1940]  }
0x85: {  	v17 =	vld [tilespmem:s0+$0x1950]  }
0x86: {  	v53 =	vld [tilespmem:s0+$0x1960]  }
0x87: {  	v52 =	vld [tilespmem:s0+$0x1970]  }
0x88: {  	v8 =	vld [tilespmem:s0+$0x1080]  }
0x89: {  	v18 =	vld [tilespmem:s0+$0x1090]  }
0x8a: {  	v25 =	vld [tilespmem:s0+$0x10A0]  }
0x8b: {  	v27 =	vld [tilespmem:s0+$0x10B0]  }
0x8c: {  	v28 =	vld [tilespmem:s0+$0x10C0]  }
0x8d: {  	v33 =	vld [tilespmem:s0+$0x10D0]  }
0x8e: {  	v34 =	vld [tilespmem:s0+$0x10E0]  }
0x8f: {  	v36 =	vld [tilespmem:s0+$0x10F0]  }
0x90: {  	v39 =	vld [tilespmem:s0+$0x14A0]  }
0x91: {  	v40 =	vld [tilespmem:s0+$0x14B0]  }
0x92: {  	v10 =	vimm.f32 $0.0e+00;
	v37 =	vld [tilespmem:s0+$0x1480]  }
0x93: {  	v38 =	vld [tilespmem:s0+$0x1490];
	v8 =	vadd.f32 v8, v10;
	v18 =	vadd.f32 v18, v10  }
0x94: {  	v41 =	vld [tilespmem:s0+$0x14C0];
	v25 =	vadd.f32 v25, v10;
	v27 =	vadd.f32 v27, v10  }
0x95: {  	v42 =	vld [tilespmem:s0+$0x14D0];
	v51 =	vadd.f32 v36, v10;
	v58 =	vadd.f32 v39, v10  }
0x96: {  	v54 =	vld [tilespmem:s0+$0x1880];
	v59 =	vadd.f32 v40, v10;
	v48 =	vadd.f32 v47, v8  }
0x97: {  	v55 =	vld [tilespmem:s0+$0x1890];
	v49 =	vadd.f32 v6, v18;
	v62 =	vadd.f32 v9, v27  }
0x98: {  	s11 =	sand.u32 $0x3, s31;
	v56 =	vld [tilespmem:s0+$0x18A0];
	v9 =	vadd.f32 v28, v10;
	v18 =	vadd.f32 v33, v10  }
0x99: {  	s1 =	sshll.u32 s11, $0x8;
	v57 =	vld [tilespmem:s0+$0x18B0];
	v50 =	vadd.f32 v7, v25;
	v28 =	vadd.f32 v34, v10  }
0x9a: {  	s1 =	sadd.s32 $0x0, s1;
	v25 =	vld [tilespmem:s0+$0x14E0];
	v11 =	vadd.f32 v11, v9;
	v63 =	vadd.f32 v12, v18  }
0x9b: {  	s13 =	sor.u32 $0xC10, s1;
	v27 =	vld [tilespmem:s0+$0x14F0];
	v14 =	vadd.f32 v13, v28;
	v13 =	vadd.f32 v15, v51  }
0x9c: {  	s14 =	sor.u32 $0xC20, s1;
	v44 =	vld [tilespmem:s13+$0x1080];
	v15 =	vadd.f32 v37, v10;
	v28 =	vadd.f32 v38, v10  }
0x9d: {  	s11 =	sor.u32 $0xC30, s1;
	v43 =	vld [tilespmem:s14+$0x1080];
	v18 =	vadd.f32 v22, v59;
	v22 =	vadd.f32 v42, v10  }
0x9e: {  	v46 =	vld [tilespmem:s11+$0x1080];
	s14 =	sor.u32 $0xC60, s1;
	v60 =	vadd.f32 v16, v15;
	v15 =	vadd.f32 v19, v28  }
0x9f: {  	v45 =	vld [tilespmem:s14+$0x1080];
	v19 =	vadd.f32 v21, v58;
	v21 =	vadd.f32 v41, v10  }
0xa0: {  	[tilespmem:$0x1FFA0] =	vst v49;
	v49 =	vld [tilespmem:s0+$0x18C0];
	v28 =	vadd.f32 v25, v10;
	v61 =	vadd.f32 v27, v10  }
0xa1: {  	[tilespmem:$0x1FFB0] =	vst v50;
	v50 =	vld [tilespmem:s0+$0x18D0];
	v25 =	vadd.f32 v24, v22;
	v22 =	vadd.f32 v55, v10  }
0xa2: {  	v47 =	vld [tilespmem:s0+$0x18E0];
	v24 =	vadd.f32 v57, v10;
	v27 =	vadd.f32 v23, v21  }
0xa3: {  	s13 =	sor.u32 $0xC50, s1;
	s11 =	sadd.s32 $0x80, s1;
	[tilespmem:$0x1FF90] =	vst v48;
	v48 =	vld [tilespmem:s0+$0x18F0];
	v21 =	vadd.f32 v54, v10;
	v23 =	vadd.f32 v56, v10  }
0xa4: {  	s14 =	sor.u32 $0xC10, s11;
	v42 =	vld [tilespmem:s13+$0x1080];
	v28 =	vadd.f32 v26, v28;
	v26 =	vadd.f32 v29, v61  }
0xa5: {  	s12 =	sor.u32 $0xC00, s1;
	v36 =	vimm.f32 $0.0e+00;
	v51 =	vld [tilespmem:s14+$0x1080];
	v33 =	vadd.f32 v31, v22;
	v29 =	vadd.f32 v35, v24  }
0xa6: {  	v37 =	vimm.f32 $0.0e+00;
	v41 =	vld [tilespmem:s12+$0x1080];
	s12 =	sor.u32 $0xC40, s1;
	v38 =	vadd.f32 v49, v10;
	v39 =	vadd.f32 v50, v10  }
0xa7: {  	v40 =	vld [tilespmem:s12+$0x1080];
	s12 =	sor.u32 $0xC70, s1;
	v35 =	vimm.f32 $0.0e+00;
	v24 =	vimm.f32 $0.0e+00;
	v22 =	vimm.f32 $0.0e+00  }
0xa8: {  	s13 =	sor.u32 $0xC00, s11;
	v49 =	vld [tilespmem:s12+$0x1080];
	v34 =	vadd.f32 v30, v21;
	v31 =	vadd.f32 v32, v23;
	v32 =	vimm.f32 $0.0e+00  }
0xa9: {  	s0 =	simm.s32 $0x100;
	s1 =	simm.s32 $0x0;
	[tilespmem:$0x1FFC0] =	vst v60;
	v50 =	vld [tilespmem:s13+$0x1080];
	s12 =	sor.u32 $0xC20, s11;
	v30 =	vimm.f32 $0.0e+00;
	v23 =	vimm.f32 $0.0e+00;
	v21 =	vimm.f32 $0.0e+00  }
.LBB2_5:
0xaa: {  	v55 =	vld [tilespmem:s12+$0x1080]  }
0xab: {  	s14 =	sor.u32 $0xC30, s11;
	v9 =	vld [tilespmem:$0x1FF90]  }
0xac: {  	s12 =	sor.u32 $0xC60, s11;
	v56 =	vadd.f32 v17, v39;
	v17 =	vld [tilespmem:s14+$0x1080]  }
0xad: {  	v59 =	vld [tilespmem:s12+$0x1080]  }
0xae: {  	s14 =	sor.u32 $0xC50, s11;
	v39 =	vld [tilespmem:$0x1FFB0]  }
0xaf: {  	s13 =	sor.u32 $0xC40, s11;
	s31 =	sadd.s32 $0x400, s31;
	v0 =	vadd.f32 v20, v38;
	v38 =	vmovc v18;
	v18 =	vmovc v15;
	v15 =	vmov v14;
	v14 =	vadd.f32 v41, v37;
	v58 =	vld [tilespmem:s14+$0x1080]  }
0xb0: {  	s11 =	sor.u32 $0xC70, s11;
	s14 =	sand.u32 $0x300, s0;
	v4 =	vadd.f32 v47, v10;
	v10 =	vld [tilespmem:s13+$0x1080];
	s13 =	sand.u32 $0x7000, s31  }
0xb1: {  	v37 =	vadd.f32 v50, v14;
	v14 =	vld [tilespmem:s11+$0x1080];
	s14 =	sor.u32 s14, s13  }
0xb2: {  	v20 =	vadd.f32 v44, v35;
	v30 =	vadd.f32 v46, v30;
	v44 =	vld [tilespmem:s14+$0x1100]  }
0xb3: {  	v46 =	vld [tilespmem:s14+$0x1110]  }
0xb4: {  	v30 =	vadd.f32 v17, v30;
	v17 =	vadd.f32 v40, v23;
	v40 =	vld [tilespmem:s14+$0x1120]  }
0xb5: {  	v35 =	vadd.f32 v51, v20;
	v20 =	vadd.f32 v42, v24;
	v42 =	vld [tilespmem:s14+$0x1130]  }
0xb6: {  	v41 =	vld [tilespmem:s14+$0x1140]  }
0xb7: {  	v32 =	vadd.f32 v43, v32;
	v43 =	vld [tilespmem:s14+$0x1150]  }
0xb8: {  	v22 =	vadd.f32 v45, v22;
	v45 =	vld [tilespmem:s14+$0x1160]  }
0xb9: {  	v47 =	vld [tilespmem:s14+$0x1170]  }
0xba: {  	v36 =	vadd.f32 v48, v36;
	v48 =	vld [tilespmem:s14+$0x1500]  }
0xbb: {  	v21 =	vadd.f32 v49, v21;
	v49 =	vld [tilespmem:s14+$0x1510]  }
0xbc: {  	v50 =	vld [tilespmem:s14+$0x1520]  }
0xbd: {  	v51 =	vld [tilespmem:s14+$0x1530]  }
0xbe: {  	v12 =	vld [tilespmem:s14+$0x1540]  }
0xbf: {  	v16 =	vld [tilespmem:s14+$0x1550]  }
0xc0: {  	v54 =	vld [tilespmem:s14+$0x1560]  }
0xc1: {  	v32 =	vadd.f32 v55, v32;
	v55 =	vld [tilespmem:s14+$0x1570]  }
0xc2: {  	[tilespmem:$0x1FF80] =	vst v56;
	v56 =	vld [tilespmem:s14+$0x1900]  }
0xc3: {  	v22 =	vadd.f32 v59, v22;
	v59 =	vld [tilespmem:s14+$0x1930]  }
0xc4: {  	v57 =	vadd.f32 v53, v4;
	v53 =	vld [tilespmem:s14+$0x1960]  }
0xc5: {  	v36 =	vadd.f32 v52, v36;
	v52 =	vld [tilespmem:s14+$0x1970]  }
0xc6: {  	v60 =	vld [tilespmem:s14+$0x1080]  }
0xc7: {  	v61 =	vld [tilespmem:s14+$0x1090]  }
0xc8: {  	v1 =	vld [tilespmem:s14+$0x10C0]  }
0xc9: {  	v3 =	vld [tilespmem:s14+$0x10D0]  }
0xca: {  	v2 =	vld [tilespmem:s14+$0x10E0]  }
0xcb: {  	[tilespmem:$0x1FF70] =	vst v0;
	v0 =	vld [tilespmem:s14+$0x10F0]  }
0xcc: {  	v4 =	vld [tilespmem:s14+$0x1480]  }
0xcd: {  	v5 =	vld [tilespmem:s14+$0x1490]  }
0xce: {  	v6 =	vld [tilespmem:s14+$0x14A0]  }
0xcf: {  	v7 =	vld [tilespmem:s14+$0x14B0]  }
0xd0: {  	v8 =	vld [tilespmem:s14+$0x14C0]  }
0xd1: {  	v24 =	vadd.f32 v58, v20;
	v58 =	vld [tilespmem:s14+$0x1920]  }
0xd2: {  	v20 =	vld [tilespmem:s14+$0x1940]  }
0xd3: {  	v21 =	vadd.f32 v14, v21;
	v14 =	vmov v13;
	v13 =	vmov v63;
	v63 =	vld [tilespmem:s14+$0x10B0]  }
0xd4: {  	[tilespmem:$0x1FF60] =	vst v57;
	v57 =	vld [tilespmem:s14+$0x1910]  }
0xd5: {  	v23 =	vadd.f32 v10, v17;
	v17 =	vld [tilespmem:s14+$0x1950]  }
0xd6: {  	v10 =	vmov v62;
	v62 =	vld [tilespmem:s14+$0x10A0]  }
0xd7: {  	s1 =	sadd.s32 $0x1, s1;
	v60 =	vadd.f32 v60, v9;
	v9 =	vld [tilespmem:$0x1FFA0];
	v1 =	vadd.f32 v1, v11  }
0xd8: {  	s13 =	sand.u32 $0x3, s1;
	v0 =	vadd.f32 v0, v14;
	v63 =	vadd.f32 v63, v10;
	v10 =	vld [tilespmem:s14+$0x14E0]  }
0xd9: {  	s12 =	sshll.u32 s13, $0x8;
	v11 =	vadd.f32 v41, v1;
	v1 =	vld [tilespmem:s14+$0x18B0]  }
0xda: {  	s12 =	sadd.s32 s12, s31;
	v3 =	vadd.f32 v3, v13;
	v13 =	vadd.f32 v47, v0;
	v0 =	vld [tilespmem:s14+$0x18C0]  }
0xdb: {  	s13 =	sor.u32 $0xC10, s12;
	v47 =	vld [tilespmem:s14+$0x18E0]  }
0xdc: {  	v60 =	vadd.f32 v44, v60;
	v44 =	vld [tilespmem:s13+$0x1080]  }
0xdd: {  	v62 =	vadd.f32 v62, v39;
	v39 =	vld [tilespmem:$0x1FFC0]  }
0xde: {  	[tilespmem:$0x1FF90] =	vst v60;
	v60 =	vld [tilespmem:s14+$0x1890]  }
0xdf: {  	v2 =	vadd.f32 v2, v15;
	v61 =	vadd.f32 v61, v9;
	v9 =	vld [tilespmem:s14+$0x14D0]  }
0xe0: {  	v40 =	vadd.f32 v40, v62;
	v62 =	vadd.f32 v42, v63;
	v42 =	vld [tilespmem:s14+$0x1880]  }
0xe1: {  	v14 =	vadd.f32 v45, v2;
	v61 =	vadd.f32 v46, v61;
	v46 =	vld [tilespmem:s14+$0x14F0]  }
0xe2: {  	[tilespmem:$0x1FFB0] =	vst v40;
	v40 =	vadd.f32 v5, v18;
	v2 =	vadd.f32 v4, v39;
	v4 =	vld [tilespmem:s14+$0x18D0]  }
0xe3: {  	v41 =	vadd.f32 v6, v19;
	[tilespmem:$0x1FFA0] =	vst v61;
	v61 =	vld [tilespmem:s14+$0x18A0]  }
0xe4: {  	v15 =	vadd.f32 v49, v40;
	v49 =	vadd.f32 v10, v28;
	v10 =	vld [tilespmem:$0x1FF60]  }
0xe5: {  	v19 =	vadd.f32 v50, v41;
	v2 =	vadd.f32 v48, v2;
	v48 =	vld [tilespmem:s14+$0x18F0];
	s14 =	sor.u32 $0xC00, s12  }
0xe6: {  	v63 =	vadd.f32 v43, v3;
	v43 =	vadd.f32 v7, v38;
	v41 =	vld [tilespmem:s14+$0x1080]  }
0xe7: {  	s14 =	sor.u32 $0xC20, s12;
	v28 =	vadd.f32 v54, v49;
	v54 =	vadd.f32 v60, v33;
	v60 =	vld [tilespmem:$0x1FF70]  }
0xe8: {  	s13 =	sor.u32 $0xC30, s12;
	v18 =	vadd.f32 v51, v43;
	v43 =	vld [tilespmem:s14+$0x1080]  }
0xe9: {  	v50 =	vadd.f32 v46, v26;
	v46 =	vld [tilespmem:s13+$0x1080];
	s14 =	sor.u32 $0xC40, s12  }
0xea: {  	v38 =	vadd.f32 v8, v27;
	v1 =	vadd.f32 v1, v29;
	v40 =	vld [tilespmem:s14+$0x1080]  }
0xeb: {  	p0 =	sne.s32 s0, $0x1F00;
	s13 =	sor.u32 $0xC50, s12;
	v26 =	vadd.f32 v55, v50;
	v55 =	vadd.f32 v61, v31;
	v61 =	vld [tilespmem:$0x1FF80]  }
.Ltmp2:
0xec: {  	v39 =	vadd.f32 v9, v25;
	v51 =	vadd.f32 v42, v34;
	v42 =	vld [tilespmem:s13+$0x1080];
	s14 =	sor.u32 $0xC60, s12;
	(pc) =	sbr.rel @p0 .LBB2_5-.Ltmp2, $4  }
0xed: {  	s11 =	sadd.s32 $0x80, s12;
	v27 =	vadd.f32 v12, v38;
	v29 =	vadd.f32 v59, v1;
	s12 =	sor.u32 $0xC70, s12;
	v45 =	vld [tilespmem:s14+$0x1080]  }
0xee: {  	v25 =	vadd.f32 v16, v39;
	v34 =	vadd.f32 v56, v51;
	s14 =	sor.u32 $0xC00, s11;
	v49 =	vld [tilespmem:s12+$0x1080]  }
0xef: {  	v33 =	vadd.f32 v57, v54;
	v50 =	vld [tilespmem:s14+$0x1080];
	s14 =	sor.u32 $0xC10, s11;
	v31 =	vadd.f32 v58, v55  }
0xf0: {  	s0 =	sadd.s32 $0x100, s0;
	[tilespmem:$0x1FFC0] =	vst v2;
	s12 =	sor.u32 $0xC20, s11;
	v38 =	vadd.f32 v0, v60;
	v51 =	vld [tilespmem:s14+$0x1080];
	v39 =	vadd.f32 v4, v61  }
0xf1: {  	v0 =	vld [tilespmem:s12+$0x1080];
	s0 =	sor.u32 $0xC30, s11  }
0xf2: {  	s12 =	sor.u32 $0xC40, s11;
	v1 =	vld [tilespmem:s0+$0x1080]  }
0xf3: {  	s13 =	sor.u32 $0xC50, s11;
	v2 =	vld [tilespmem:s12+$0x1080]  }
0xf4: {  	s14 =	sor.u32 $0xC60, s11;
	v61 =	vmul.f32 $1.562500000e-02, v62;
	v3 =	vld [tilespmem:s13+$0x1080]  }
0xf5: {  	s31 =	sor.u32 $0xC70, s11;
	v62 =	vmul.f32 $1.562500000e-02, v11;
	v4 =	vld [tilespmem:s14+$0x1080]  }
0xf6: {  	v9 =	vmul.f32 $1.562500000e-02, v63;
	v6 =	vld [tilespmem:s31+$0x1080];
	[tilespmem:$0x90B0] =	vst v61  }
0xf7: {  	v11 =	vmul.f32 $1.562500000e-02, v14;
	[tilespmem:$0x90C0] =	vst v62  }
0xf8: {  	v12 =	vmul.f32 $1.562500000e-02, v13;
	[tilespmem:$0x90D0] =	vst v9  }
0xf9: {  	v14 =	vmul.f32 $1.562500000e-02, v15;
	[tilespmem:$0x90E0] =	vst v11  }
0xfa: {  	v15 =	vmul.f32 $1.562500000e-02, v19;
	[tilespmem:$0x90F0] =	vst v12  }
0xfb: {  	v16 =	vmul.f32 $1.562500000e-02, v18;
	[tilespmem:$0x9110] =	vst v14  }
0xfc: {  	v18 =	vmul.f32 $1.562500000e-02, v27;
	[tilespmem:$0x9120] =	vst v15  }
0xfd: {  	v19 =	vmul.f32 $1.562500000e-02, v25;
	[tilespmem:$0x9130] =	vst v16  }
0xfe: {  	v25 =	vmul.f32 $1.562500000e-02, v28;
	[tilespmem:$0x9140] =	vst v18  }
0xff: {  	v27 =	vmul.f32 $1.562500000e-02, v26;
	[tilespmem:$0x9150] =	vst v19  }
0x100: {  	v28 =	vmul.f32 $1.562500000e-02, v34;
	[tilespmem:$0x9160] =	vst v25  }
0x101: {  	v33 =	vmul.f32 $1.562500000e-02, v33;
	[tilespmem:$0x9170] =	vst v27  }
0x102: {  	v8 =	vadd.f32 v47, v10;
	v34 =	vmul.f32 $1.562500000e-02, v31;
	v9 =	vadd.f32 v20, v38;
	[tilespmem:$0x9180] =	vst v28  }
0x103: {  	v5 =	vld [tilespmem:$0x1FF90];
	v36 =	vadd.f32 v48, v36;
	v38 =	vadd.f32 v17, v39;
	[tilespmem:$0x9190] =	vst v33;
	v39 =	vmul.f32 $1.562500000e-02, v29  }
0x104: {  	v7 =	vld [tilespmem:$0x1FFA0];
	v8 =	vadd.f32 v53, v8;
	[tilespmem:$0x91A0] =	vst v34;
	v47 =	vmul.f32 $1.562500000e-02, v9  }
0x105: {  	v48 =	vadd.f32 v52, v36;
	[tilespmem:$0x91B0] =	vst v39;
	v53 =	vmul.f32 $1.562500000e-02, v38  }
0x106: {  	v12 =	vadd.f32 v41, v37;
	v55 =	vmul.f32 $1.562500000e-02, v8;
	[tilespmem:$0x91C0] =	vst v47  }
0x107: {  	v60 =	vld [tilespmem:$0x1FFB0];
	v52 =	vadd.f32 v44, v35;
	v57 =	vmul.f32 $1.562500000e-02, v48;
	[tilespmem:$0x91D0] =	vst v53  }
0x108: {  	v12 =	vadd.f32 v50, v12;
	v5 =	vmul.f32 $1.562500000e-02, v5;
	[tilespmem:$0x91E0] =	vst v55  }
0x109: {  	v54 =	vadd.f32 v43, v32;
	v10 =	vadd.f32 v51, v52;
	v7 =	vmul.f32 $1.562500000e-02, v7;
	[tilespmem:$0x91F0] =	vst v57  }
0x10a: {  	v13 =	vld [tilespmem:$0x1FFC0];
	v56 =	vadd.f32 v46, v30;
	v59 =	vmul.f32 $1.562500000e-02, v12;
	[tilespmem:$0x9080] =	vst v5  }
0x10b: {  	v0 =	vadd.f32 v0, v54;
	v61 =	vmul.f32 $1.562500000e-02, v10;
	[tilespmem:$0x9090] =	vst v7  }
0x10c: {  	v58 =	vadd.f32 v40, v23;
	v1 =	vadd.f32 v1, v56;
	v5 =	vmul.f32 $1.562500000e-02, v60;
	[tilespmem:$0x9200] =	vst v59  }
0x10d: {  	v60 =	vadd.f32 v42, v24;
	v0 =	vmul.f32 $1.562500000e-02, v0;
	[tilespmem:$0x9210] =	vst v61  }
0x10e: {  	v62 =	vadd.f32 v45, v22;
	v2 =	vadd.f32 v2, v58;
	v1 =	vmul.f32 $1.562500000e-02, v1;
	[tilespmem:$0x90A0] =	vst v5  }
0x10f: {  	v63 =	vadd.f32 v49, v21;
	v5 =	vmul.f32 $1.562500000e-02, v13;
	v3 =	vadd.f32 v3, v60;
	[tilespmem:$0x9220] =	vst v0  }
0x110: {  	v4 =	vadd.f32 v4, v62;
	v0 =	vmul.f32 $1.562500000e-02, v2;
	[tilespmem:$0x9230] =	vst v1  }
0x111: {  	v2 =	vadd.f32 v6, v63;
	[tilespmem:$0x9100] =	vst v5;
	v1 =	vmul.f32 $1.562500000e-02, v3  }
0x112: {  	[tilespmem:$0x9240] =	vst v0;
	v0 =	vmul.f32 $1.562500000e-02, v4  }
0x113: {  	s30 =	sadd.s32 $0x1, s30;
	[tilespmem:$0x9250] =	vst v1;
	v1 =	vmul.f32 $1.562500000e-02, v2  }
0x114: {  	p0 =	sne.s32 s30, s7;
	[tilespmem:$0x9260] =	vst v0  }
.Ltmp3:
0x115: {  	[tilespmem:$0x9270] =	vst v1;
	(pc) =	sbr.rel @p0 .LBB2_2-.Ltmp3, $4  }
0x116: {  	[hbm4b:s5+s3] =	stream.linear.scatter [tilespmem:s29], [sflag:$0x2], $0x200, $0x38;
	[tilespmem:$0x9280] =	vst v63  }
0x117: {  	_ =	swait.ge [sflag:s9], $0x200  }
0x118: {  	[sflag:s9] =	ssyncset.done $0x0  }
0x119: {  	v0 =	vlaneseq.u32;
	[sflag:s9] =	ssyncadd.s32 $0xFFFFFE00  }
.LBB2_7:
0x11a: {  	_ =	sfence.sel $0x180000  }
0x11b: {  	[bflag:$0x0] =	sbarrier.arrive $0xFFFF  }
0x11c: {  	_ =	strace $0x90000047  }
0x11d: {  	s0 =	stileid.u32;
	[bflag:$0x2] =	sbarrier.arrive $0xFFFF  }
0x11e: {  	p0 =	sne.s32 s0, $0x0;
	s0 =	rddreg [dreg:$0x2]  }
0x11f: {  	s0 =	sadd.s32 @!p0 $0x100000, s0  }
0x120: {  	[sflag:s0] =	ssyncadd.tile.s32 @!p0 $0x1;
	_ =	shalt  }
.Lfunc_end2:
_tile_overlayer_lowered:
.L_overlay_start_2:
0x121: {  	(tag) =	ssettag $0x2  }
0x122: {  	s0 =	rddreg [dreg:$0x0];
	s2 =	stileid.u32  }
0x123: {  	s1 =	rddreg [dreg:$0x1];
	p0 =	sne.s32 s2, $0x0  }
0x124: {  	s3 =	rddreg [dreg:$0x2];
	[bflag:$0x3] =	sbarrier.arrive $0xFFFF;
	s2 =	simm.s32 @!p0 $0x1C02  }
0x125: {  	[timem:s3], [sflag:s2] =	dma.local @!p0 [hbm:s0], s1  }
0x126: {  	s0 =	simm.s32 @!p0 $0x2  }
0x127: {  	_ =	swait.ge @!p0 [sflag:s0], s1  }
0x128: {  	s1 =	ssub.s32 @!p0 $0x0, s1;
	[sflag:s0] =	ssyncset.done @!p0 $0x0  }
0x129: {  	[sflag:s0] =	ssyncadd.s32 @!p0 s1  }
0x12a: {  	[bflag:$0x3] =	sbarrier.arrive $0xFFFF  }
0x12b: {  	_ =	shalt  }

</sc_bundles>
